<compile_context>
chip_gen: v7x
topology: tpu7x:2x2x1
jax: 0.10.2.dev20260603
libtpu: 0.0.44.dev20260713+nightly
codegen_flags: <defaults>
</compile_context>

<pallas_src>
import functools

import jax
import jax.numpy as jnp
from jax import lax
from jax.experimental import pallas as pl
from jax.experimental.pallas import tpu as pltpu
from jax.experimental.pallas import tpu_sc as plsc

L = 16
BLK = 128

_INT_MAX = 2**31 - 1

_SC_PARAMS = dict(
    needs_layout_passes=False,
    use_tc_tiling_on_sc=True,
    disable_bounds_checks=True,
)


def _worker_id():
    return lax.axis_index("s") * lax.axis_size("c") + lax.axis_index("c")


def _make_stage1(K, NW, CH_B, TB):
    NB = -(-K // BLK)
    NBW = NB - TB
    BASE_B = NBW // NW
    EXTRA = NBW % NW
    NCHUNK = -(-(BASE_B + (1 if EXTRA else 0)) // CH_B)
    CH_C = CH_B * BLK

    mesh = plsc.VectorSubcoreMesh(core_axis_name="c", subcore_axis_name="s")

    @functools.partial(
        pl.kernel,
        out_type=(
            jax.ShapeDtypeStruct((NW, L), jnp.float32),
            jax.ShapeDtypeStruct((NW, L), jnp.int32),
        ),
        mesh=mesh,
        compiler_params=pltpu.CompilerParams(**_SC_PARAMS),
        scratch_types=[
            pltpu.VMEM((L, CH_C), jnp.float32),
            pltpu.VMEM((L, CH_C), jnp.float32),
            pltpu.VMEM((1, L), jnp.float32),
            pltpu.VMEM((L,), jnp.float32),
            pltpu.VMEM((L,), jnp.int32),
            pltpu.SemaphoreType.DMA,
            pltpu.SemaphoreType.DMA,
        ],
    )
    def stage1(q_hbm, obs_hbm, oval_hbm, oidx_hbm,
               buf0, buf1, qv, sval, sidx, sem0, sem1):
        w = _worker_id()
        b0 = TB + w * BASE_B + jnp.minimum(w, EXTRA)
        nb = BASE_B + jnp.where(w < EXTRA, 1, 0)
        col0 = b0 * BLK
        col_hi = (b0 + nb) * BLK - CH_C

        pltpu.sync_copy(q_hbm, qv)
        qvec = qv[0]
        qs = [jnp.full((L,), qvec[f], jnp.float32) for f in range(L)]

        iota = lax.iota(jnp.int32, L)

        bufs = (buf0, buf1)
        sems = (sem0, sem1)

        def chunk_base(c):
            return jnp.minimum(col0 + c * CH_C, col_hi)

        def start(c):
            return pltpu.async_copy(
                obs_hbm.at[:, pl.ds(chunk_base(c), CH_C)], bufs[c % 2],
                sems[c % 2])

        best_val = jnp.full((L,), jnp.inf, jnp.float32)
        best_idx = jnp.zeros((L,), jnp.int32)

        inf16 = jnp.full((L,), jnp.inf, jnp.float32)

        def process(c, buf, sem, bv, bi):
            pltpu.make_async_copy(
                obs_hbm.at[:, pl.ds(chunk_base(c), CH_C)], buf, sem).wait()
            cb = chunk_base(c)

            @pl.when(cb + CH_C > K)
            def _():
                def poison(t, _):
                    for f in range(L):
                        buf[f, pl.ds(K - cb + t * L, L)] = inf16
                    return 0
                lax.fori_loop(0, (cb + CH_C - K) // L, poison, 0)

            base_idx = cb + iota

            def group(g, carry):
                gv, gi = carry
                r = g * L
                parts = []
                for f in range(L):
                    t = buf[f, pl.ds(r, L)] - qs[f]
                    parts.append(t * t)
                while len(parts) > 1:
                    parts = [parts[i] + parts[i + 1]
                             for i in range(0, len(parts), 2)]
                dist = parts[0]
                upd = dist < gv
                return (jnp.minimum(dist, gv),
                        jnp.where(upd, base_idx + r, gi))

            return lax.fori_loop(0, CH_C // L, group, (bv, bi))

        cp0 = start(0)
        cp1 = start(1)

        def pair(i, carry):
            bv, bi = carry
            c0 = 2 * i
            bv, bi = process(c0, buf0, sem0, bv, bi)

            @pl.when(c0 + 2 < NCHUNK)
            def _():
                pltpu.async_copy(
                    obs_hbm.at[:, pl.ds(chunk_base(c0 + 2), CH_C)], buf0,
                    sem0)

            bv, bi = process(c0 + 1, buf1, sem1, bv, bi)

            @pl.when(c0 + 3 < NCHUNK)
            def _():
                pltpu.async_copy(
                    obs_hbm.at[:, pl.ds(chunk_base(c0 + 3), CH_C)], buf1,
                    sem1)

            return bv, bi

        best_val, best_idx = lax.fori_loop(
            0, NCHUNK // 2, pair, (best_val, best_idx))
        if NCHUNK % 2:
            best_val, best_idx = process(
                NCHUNK - 1, buf0, sem0, best_val, best_idx)

        sval[...] = best_val
        sidx[...] = best_idx
        pltpu.sync_copy(sval, oval_hbm.at[w])
        pltpu.sync_copy(sidx, oidx_hbm.at[w])

    return stage1


def _make_tc_scan(K, TB, BN):
    TCOLS = TB * BLK
    assert TCOLS % BN == 0 and TCOLS <= K
    NSTEP = TCOLS // BN

    def scan(q_ref, blk_ref, oval_ref, oidx_ref, bestv, besti):
        i = pl.program_id(0)

        @pl.when(i == 0)
        def _():
            bestv[...] = jnp.full((1, BN), jnp.inf, jnp.float32)
            besti[...] = jnp.zeros((1, BN), jnp.int32)

        t = blk_ref[...] - q_ref[...]
        d = jnp.sum(t * t, axis=0, keepdims=True)
        idx = i * BN + lax.broadcasted_iota(jnp.int32, (1, BN), 1)
        bv = bestv[...]
        upd = d < bv
        bestv[...] = jnp.minimum(d, bv)
        besti[...] = jnp.where(upd, idx, besti[...])

        @pl.when(i == NSTEP - 1)
        def _():
            oval_ref[...] = bestv[...]
            oidx_ref[...] = besti[...]

    return pl.pallas_call(
        scan,
        grid=(NSTEP,),
        out_shape=(
            jax.ShapeDtypeStruct((1, BN), jnp.float32),
            jax.ShapeDtypeStruct((1, BN), jnp.int32),
        ),
        in_specs=[
            pl.BlockSpec((L, 1), lambda i: (0, 0)),
            pl.BlockSpec((L, BN), lambda i: (0, i)),
        ],
        out_specs=(
            pl.BlockSpec((1, BN), lambda i: (0, 0)),
            pl.BlockSpec((1, BN), lambda i: (0, 0)),
        ),
        scratch_shapes=[
            pltpu.VMEM((1, BN), jnp.float32),
            pltpu.VMEM((1, BN), jnp.int32),
        ],
        compiler_params=pltpu.CompilerParams(
            dimension_semantics=("arbitrary",)),
    )


def _make_stage2(K, NW):

    def stage2(vals_ref, idxs_ref, tval_ref, tidx_ref, pv_hbm, pm_hbm,
               ovel_ref, omask_ref, blkv, blkm, sem):
        v = vals_ref[...]
        ix = idxs_ref[...]
        m = jnp.min(v)
        ind = jnp.min(jnp.where(v == m, ix, _INT_MAX))
        tv = tval_ref[...]
        tm_ = jnp.min(tv)
        tind = jnp.min(jnp.where(tv == tm_, tidx_ref[...], _INT_MAX))
        tc_wins = (tm_ < m) | ((tm_ == m) & (tind < ind))
        ind = jnp.where(tc_wins, tind, ind)
        blk0 = (ind // BLK) * BLK
        off = ind - blk0
        pltpu.make_async_copy(
            pv_hbm.at[:, pl.ds(blk0, BLK)], blkv, sem).start()
        pltpu.make_async_copy(
            pv_hbm.at[:, pl.ds(blk0, BLK)], blkv, sem).wait()
        pltpu.make_async_copy(
            pm_hbm.at[:, pl.ds(blk0, BLK)], blkm, sem).start()
        pltpu.make_async_copy(
            pm_hbm.at[:, pl.ds(blk0, BLK)], blkm, sem).wait()
        lane = lax.broadcasted_iota(jnp.int32, (L, BLK), 1)
        sel = lane == off
        rowv = jnp.sum(jnp.where(sel, blkv[...], 0.0), axis=1)
        rowm = jnp.sum(jnp.where(sel, blkm[...], 0.0), axis=1)
        ovel_ref[...] = rowv.reshape(1, L)
        omask_ref[...] = rowm.reshape(1, L)

    return pl.pallas_call(
        stage2,
        out_shape=(
            jax.ShapeDtypeStruct((1, L), jnp.float32),
            jax.ShapeDtypeStruct((1, L), jnp.float32),
        ),
        in_specs=[
            pl.BlockSpec(memory_space=pltpu.MemorySpace.VMEM),
            pl.BlockSpec(memory_space=pltpu.MemorySpace.VMEM),
            pl.BlockSpec(memory_space=pltpu.MemorySpace.VMEM),
            pl.BlockSpec(memory_space=pltpu.MemorySpace.VMEM),
            pl.BlockSpec(memory_space=pl.ANY),
            pl.BlockSpec(memory_space=pl.ANY),
        ],
        out_specs=(
            pl.BlockSpec(memory_space=pltpu.MemorySpace.VMEM),
            pl.BlockSpec(memory_space=pltpu.MemorySpace.VMEM),
        ),
        scratch_shapes=[
            pltpu.VMEM((L, BLK), jnp.float32),
            pltpu.VMEM((L, BLK), jnp.float32),
            pltpu.SemaphoreType.DMA,
        ],
        compiler_params=pltpu.CompilerParams(disable_bounds_checks=True),
    )


def kernel(in_vel, obs_vel, pred_vel, pred_mask):
    K, D = obs_vel.shape
    assert D == L
    info = plsc.get_sparse_core_info()
    NW = info.num_cores * info.num_subcores
    CH_B = 16
    TB = 1312

    obs_t = obs_vel.T
    pv_t = pred_vel.T
    pm_t = pred_mask.T

    vals, idxs = _make_stage1(K, NW, CH_B, TB)(in_vel, obs_t)
    tval, tidx = _make_tc_scan(K, TB, 4096)(in_vel.T, obs_t)
    best_vel, best_mask = _make_stage2(K, NW)(
        vals, idxs, tval, tidx, pv_t, pm_t)
    return best_vel, best_mask

# --- scband reference (transcript-rebuilt; emitter-appended) ---
"""Pipeline reference for scband-nearest-neighbor-15530601742645 (READ-ONLY COPY).

The authoritative reference and input builder live on the scoring server;
editing this copy changes nothing except your own understanding.
"""

import jax, jax.numpy as jnp
import numpy as np

K = 1000000
D = 16

def setup_inputs(seed: int = 0) -> dict:
    key = jax.random.key(seed)
    k1, k2, k3, k4 = jax.random.split(key, 4)
    in_vel = jax.random.normal(k1, (1, D), dtype=jnp.float32)
    obs_vel = jax.random.normal(k2, (K, D), dtype=jnp.float32)
    pred_vel = jax.random.normal(k3, (K, D), dtype=jnp.float32)
    pred_mask = jax.random.uniform(k4, (K, D), dtype=jnp.float32)
    return {"in_vel": in_vel, "obs_vel": obs_vel, "pred_vel": pred_vel, "pred_mask": pred_mask}

def reference(in_vel, obs_vel, pred_vel, pred_mask):
    # Faithful translation of NearestNeighbor.forward with the full training
    # set materialized as one database (the dataloader loop is a streamed
    # argmin over the same database):
    #   dis = MSELoss(reduction='none')(in_vel.repeat(bs,1), obs_vel.view(bs,-1)).sum(1)
    #   value, ind = torch.min(dis, 0)
    n = obs_vel.shape[0]
    q = in_vel.reshape(1, -1)                      # [1, d]
    db = obs_vel.reshape(n, -1)                    # [K, d]
    dis = jnp.sum((q - db) ** 2, axis=1)           # elementwise squared error, sum over feature dim
    ind = jnp.argmin(dis)                          # global nearest neighbor index
    best_pred_vel = jnp.take(pred_vel, ind, axis=0)    # data[4][ind]
    best_pred_mask = jnp.take(pred_mask, ind, axis=0)  # data[5][ind]
    # use_mask=True branch: return (vel.unsqueeze(0), mask.unsqueeze(0))
    return (best_pred_vel[None, :], best_pred_mask[None, :])

if __name__ == "__main__":
    import jax
    _d = setup_inputs()
    print(jax.jit(kernel)(*tuple(_d.values())))

</pallas_src>

<mosaic_0001>
#map = affine_map<(d0, d1) -> (0, 0)>
module attributes {stable_mosaic.version = 14 : i64} {
  func.func @stage1(%arg0: i32, %arg1: i32, %arg2: memref<1x16xf32, #tpu.memory_space<hbm>>, %arg3: memref<16x1000000xf32, #tpu.memory_space<hbm>>, %arg4: memref<32x16xf32, #tpu.memory_space<hbm>>, %arg5: memref<32x16xi32, #tpu.memory_space<hbm>>, %arg6: memref<16x2048xf32, #tpu.memory_space<vmem>>, %arg7: memref<16x2048xf32, #tpu.memory_space<vmem>>, %arg8: memref<1x16xf32, #tpu.memory_space<vmem>>, %arg9: memref<16xf32, #tpu.memory_space<vmem>>, %arg10: memref<16xi32, #tpu.memory_space<vmem>>, %arg11: memref<!tpu.dma_semaphore, #tpu.memory_space<semaphore_mem>>, %arg12: memref<!tpu.dma_semaphore, #tpu.memory_space<semaphore_mem>>) attributes {dimension_semantics = [#tpu.dimension_semantics<core_parallel>, #tpu.dimension_semantics<subcore_parallel>], iteration_bounds = array<i64: 2, 16>, scalar_prefetch = 0 : i64, scratch_operands = 7 : i64, tpu.core_type = #tpu.core_type<sc_vector_subcore>, window_params = [{transform_indices = #map}, {transform_indices = #map}, {transform_indices = #map}, {transform_indices = #map}]} {
    %mul3A = arith.constant 2 : i32
    %mul3A_0 = arith.muli %arg1, %mul3A : i32
    %add3A = arith.addi %mul3A_0, %arg0 : i32
    %mul3A_1 = arith.constant 203 : i32
    %mul3A_2 = arith.muli %add3A, %mul3A_1 : i32
    %add3A_3 = arith.constant 1312 : i32
    %add3A_4 = arith.addi %add3A_3, %mul3A_2 : i32
    %min3A = arith.constant 5 : i32
    %min3A_5 = arith.minsi %add3A, %min3A : i32
    %add3A_6 = arith.addi %add3A_4, %min3A_5 : i32
    %lt3A = arith.constant 5 : i32
    %lt3A_7 = arith.cmpi slt, %add3A, %lt3A : i32
    %jit3A = arith.constant 1 : i32
    %jit3A_8 = arith.constant 0 : i32
    %select_n3A = arith.select %lt3A_7, %jit3A, %jit3A_8 : i32
    %add3A_9 = arith.constant 203 : i32
    %add3A_10 = arith.addi %add3A_9, %select_n3A : i32
    %mul3A_11 = arith.constant 128 : i32
    %mul3A_12 = arith.muli %add3A_6, %mul3A_11 : i32
    %add3A_13 = arith.addi %add3A_6, %add3A_10 : i32
    %mul3A_14 = arith.constant 128 : i32
    %mul3A_15 = arith.muli %add3A_13, %mul3A_14 : i32
    %sub3A = arith.constant 2048 : i32
    %sub3A_16 = arith.subi %mul3A_15, %sub3A : i32
    "tpu.region"() ({
      %run_scoped3A = tpu.sem_alloc : memref<!tpu.dma_semaphore, #tpu.memory_space<semaphore_mem>>
      tpu.enqueue_dma source(%arg2 : memref<1x16xf32, #tpu.memory_space<hbm>>) target(%arg8 : memref<1x16xf32, #tpu.memory_space<vmem>>) target_semaphore(%run_scoped3A : memref<!tpu.dma_semaphore, #tpu.memory_space<semaphore_mem>>)
      tpu.wait_dma2 semaphore(%run_scoped3A : memref<!tpu.dma_semaphore, #tpu.memory_space<semaphore_mem>>) src(%arg2 : memref<1x16xf32, #tpu.memory_space<hbm>>) dst(%arg8 : memref<1x16xf32, #tpu.memory_space<vmem>>)
      tpu.yield
    }) : () -> ()
    %get3A = arith.constant 0 : i32
    %get3A_17 = arith.index_cast %get3A : i32 to index
    %get3A_18 = arith.constant 0 : index
    %get3A_19 = tpu.vector_load %arg8[%get3A_17, %get3A_18] {strides = array<i32>} : memref<1x16xf32, #tpu.memory_space<vmem>>, vector<16xf32>,
    %slice3A = vector.extract_strided_slice %get3A_19 {offsets = [0], sizes = [1], strides = [1]} : vector<16xf32> to vector<1xf32>
    %squeeze3A = vector.extract %slice3A[0] : f32 from vector<1xf32>
    %broadcast_in_dim3A = vector.broadcast %squeeze3A : f32 to vector<16xf32>
    %slice3A_20 = vector.extract_strided_slice %get3A_19 {offsets = [1], sizes = [1], strides = [1]} : vector<16xf32> to vector<1xf32>
    %squeeze3A_21 = vector.extract %slice3A_20[0] : f32 from vector<1xf32>
    %broadcast_in_dim3A_22 = vector.broadcast %squeeze3A_21 : f32 to vector<16xf32>
    %slice3A_23 = vector.extract_strided_slice %get3A_19 {offsets = [2], sizes = [1], strides = [1]} : vector<16xf32> to vector<1xf32>
    %squeeze3A_24 = vector.extract %slice3A_23[0] : f32 from vector<1xf32>
    %broadcast_in_dim3A_25 = vector.broadcast %squeeze3A_24 : f32 to vector<16xf32>
    %slice3A_26 = vector.extract_strided_slice %get3A_19 {offsets = [3], sizes = [1], strides = [1]} : vector<16xf32> to vector<1xf32>
    %squeeze3A_27 = vector.extract %slice3A_26[0] : f32 from vector<1xf32>
    %broadcast_in_dim3A_28 = vector.broadcast %squeeze3A_27 : f32 to vector<16xf32>
    %slice3A_29 = vector.extract_strided_slice %get3A_19 {offsets = [4], sizes = [1], strides = [1]} : vector<16xf32> to vector<1xf32>
    %squeeze3A_30 = vector.extract %slice3A_29[0] : f32 from vector<1xf32>
    %broadcast_in_dim3A_31 = vector.broadcast %squeeze3A_30 : f32 to vector<16xf32>
    %slice3A_32 = vector.extract_strided_slice %get3A_19 {offsets = [5], sizes = [1], strides = [1]} : vector<16xf32> to vector<1xf32>
    %squeeze3A_33 = vector.extract %slice3A_32[0] : f32 from vector<1xf32>
    %broadcast_in_dim3A_34 = vector.broadcast %squeeze3A_33 : f32 to vector<16xf32>
    %slice3A_35 = vector.extract_strided_slice %get3A_19 {offsets = [6], sizes = [1], strides = [1]} : vector<16xf32> to vector<1xf32>
    %squeeze3A_36 = vector.extract %slice3A_35[0] : f32 from vector<1xf32>
    %broadcast_in_dim3A_37 = vector.broadcast %squeeze3A_36 : f32 to vector<16xf32>
    %slice3A_38 = vector.extract_strided_slice %get3A_19 {offsets = [7], sizes = [1], strides = [1]} : vector<16xf32> to vector<1xf32>
    %squeeze3A_39 = vector.extract %slice3A_38[0] : f32 from vector<1xf32>
    %broadcast_in_dim3A_40 = vector.broadcast %squeeze3A_39 : f32 to vector<16xf32>
    %slice3A_41 = vector.extract_strided_slice %get3A_19 {offsets = [8], sizes = [1], strides = [1]} : vector<16xf32> to vector<1xf32>
    %squeeze3A_42 = vector.extract %slice3A_41[0] : f32 from vector<1xf32>
    %broadcast_in_dim3A_43 = vector.broadcast %squeeze3A_42 : f32 to vector<16xf32>
    %slice3A_44 = vector.extract_strided_slice %get3A_19 {offsets = [9], sizes = [1], strides = [1]} : vector<16xf32> to vector<1xf32>
    %squeeze3A_45 = vector.extract %slice3A_44[0] : f32 from vector<1xf32>
    %broadcast_in_dim3A_46 = vector.broadcast %squeeze3A_45 : f32 to vector<16xf32>
    %slice3A_47 = vector.extract_strided_slice %get3A_19 {offsets = [10], sizes = [1], strides = [1]} : vector<16xf32> to vector<1xf32>
    %squeeze3A_48 = vector.extract %slice3A_47[0] : f32 from vector<1xf32>
    %broadcast_in_dim3A_49 = vector.broadcast %squeeze3A_48 : f32 to vector<16xf32>
    %slice3A_50 = vector.extract_strided_slice %get3A_19 {offsets = [11], sizes = [1], strides = [1]} : vector<16xf32> to vector<1xf32>
    %squeeze3A_51 = vector.extract %slice3A_50[0] : f32 from vector<1xf32>
    %broadcast_in_dim3A_52 = vector.broadcast %squeeze3A_51 : f32 to vector<16xf32>
    %slice3A_53 = vector.extract_strided_slice %get3A_19 {offsets = [12], sizes = [1], strides = [1]} : vector<16xf32> to vector<1xf32>
    %squeeze3A_54 = vector.extract %slice3A_53[0] : f32 from vector<1xf32>
    %broadcast_in_dim3A_55 = vector.broadcast %squeeze3A_54 : f32 to vector<16xf32>
    %slice3A_56 = vector.extract_strided_slice %get3A_19 {offsets = [13], sizes = [1], strides = [1]} : vector<16xf32> to vector<1xf32>
    %squeeze3A_57 = vector.extract %slice3A_56[0] : f32 from vector<1xf32>
    %broadcast_in_dim3A_58 = vector.broadcast %squeeze3A_57 : f32 to vector<16xf32>
    %slice3A_59 = vector.extract_strided_slice %get3A_19 {offsets = [14], sizes = [1], strides = [1]} : vector<16xf32> to vector<1xf32>
    %squeeze3A_60 = vector.extract %slice3A_59[0] : f32 from vector<1xf32>
    %broadcast_in_dim3A_61 = vector.broadcast %squeeze3A_60 : f32 to vector<16xf32>
    %slice3A_62 = vector.extract_strided_slice %get3A_19 {offsets = [15], sizes = [1], strides = [1]} : vector<16xf32> to vector<1xf32>
    %squeeze3A_63 = vector.extract %slice3A_62[0] : f32 from vector<1xf32>
    %broadcast_in_dim3A_64 = vector.broadcast %squeeze3A_63 : f32 to vector<16xf32>
    %iota3A = tpu.iota {dimensions = array<i32: 0>} : vector<16xi32>
    %broadcast_in_dim3A_65 = arith.constant 0x7F800000 : f32
    %broadcast_in_dim3A_66 = vector.broadcast %broadcast_in_dim3A_65 : f32 to vector<16xf32>
    %broadcast_in_dim3A_67 = arith.constant 0 : i32
    %broadcast_in_dim3A_68 = vector.broadcast %broadcast_in_dim3A_67 : i32 to vector<16xi32>
    %broadcast_in_dim3A_69 = arith.constant 0x7F800000 : f32
    %broadcast_in_dim3A_70 = vector.broadcast %broadcast_in_dim3A_69 : f32 to vector<16xf32>
    %add3A_71 = arith.constant 0 : i32
    %add3A_72 = arith.addi %mul3A_12, %add3A_71 : i32
    %min3A_73 = arith.minsi %add3A_72, %sub3A_16 : i32
    %dma_start3A = arith.constant 0 : i32
    %dma_start3A_74 = tpu.memref_slice %arg3[%dma_start3A, %min3A_73] : memref<16x1000000xf32, #tpu.memory_space<hbm>> -> memref<16x2048xf32, #tpu.memory_space<hbm>>
    %dma_start3A_75 = arith.constant 0 : i32
    %dma_start3A_76 = tpu.memref_slice %arg3[%dma_start3A_75, %min3A_73] : memref<16x1000000xf32, #tpu.memory_space<hbm>> -> memref<16x2048xf32, #tpu.memory_space<hbm>>
    tpu.enqueue_dma source(%dma_start3A_76 : memref<16x2048xf32, #tpu.memory_space<hbm>>) target(%arg6 : memref<16x2048xf32, #tpu.memory_space<vmem>>) target_semaphore(%arg11 : memref<!tpu.dma_semaphore, #tpu.memory_space<semaphore_mem>>)
    %add3A_77 = arith.constant 2048 : i32
    %add3A_78 = arith.addi %mul3A_12, %add3A_77 : i32
    %min3A_79 = arith.minsi %add3A_78, %sub3A_16 : i32
    %dma_start3A_80 = arith.constant 0 : i32
    %dma_start3A_81 = tpu.memref_slice %arg3[%dma_start3A_80, %min3A_79] : memref<16x1000000xf32, #tpu.memory_space<hbm>> -> memref<16x2048xf32, #tpu.memory_space<hbm>>
    %dma_start3A_82 = arith.constant 0 : i32
    %dma_start3A_83 = tpu.memref_slice %arg3[%dma_start3A_82, %min3A_79] : memref<16x1000000xf32, #tpu.memory_space<hbm>> -> memref<16x2048xf32, #tpu.memory_space<hbm>>
    tpu.enqueue_dma source(%dma_start3A_83 : memref<16x2048xf32, #tpu.memory_space<hbm>>) target(%arg7 : memref<16x2048xf32, #tpu.memory_space<vmem>>) target_semaphore(%arg12 : memref<!tpu.dma_semaphore, #tpu.memory_space<semaphore_mem>>)
    %scan3A = arith.constant 0 : i32
    %scan3A_84 = arith.constant 6 : i32
    %scan3A_85 = arith.addi %scan3A, %scan3A_84 : i32
    %scan3A_86 = arith.constant 1 : i32
    %scan3A_87:2 = scf.for %scan3A_113 = %scan3A to %scan3A_85 step %scan3A_86 iter_args(%scan3A_114 = %broadcast_in_dim3A_66, %scan3A_115 = %broadcast_in_dim3A_68) -> (vector<16xf32>, vector<16xi32>)  : i32 {
      %mul3A_116 = arith.constant 2 : i32
      %mul3A_117 = arith.muli %mul3A_116, %scan3A_113 : i32
      %mul3A_118 = arith.constant 2048 : i32
      %mul3A_119 = arith.muli %mul3A_117, %mul3A_118 : i32
      %add3A_120 = arith.addi %mul3A_12, %mul3A_119 : i32
      %min3A_121 = arith.minsi %add3A_120, %sub3A_16 : i32
      %dma_wait3A_122 = arith.constant 0 : i32
      %dma_wait3A_123 = tpu.memref_slice %arg3[%dma_wait3A_122, %min3A_121] : memref<16x1000000xf32, #tpu.memory_space<hbm>> -> memref<16x2048xf32, #tpu.memory_space<hbm>>
      %dma_wait3A_124 = arith.constant 0 : i32
      %dma_wait3A_125 = tpu.memref_slice %arg3[%dma_wait3A_124, %min3A_121] : memref<16x1000000xf32, #tpu.memory_space<hbm>> -> memref<16x2048xf32, #tpu.memory_space<hbm>>
      tpu.wait_dma2 semaphore(%arg11 : memref<!tpu.dma_semaphore, #tpu.memory_space<semaphore_mem>>) src(%dma_wait3A_125 : memref<16x2048xf32, #tpu.memory_space<hbm>>) dst(%arg6 : memref<16x2048xf32, #tpu.memory_space<vmem>>)
      %mul3A_126 = arith.constant 2048 : i32
      %mul3A_127 = arith.muli %mul3A_117, %mul3A_126 : i32
      %add3A_128 = arith.addi %mul3A_12, %mul3A_127 : i32
      %min3A_129 = arith.minsi %add3A_128, %sub3A_16 : i32
      %add3A_130 = arith.constant 2048 : i32
      %add3A_131 = arith.addi %min3A_129, %add3A_130 : i32
      %gt3A_132 = arith.constant 1000000 : i32
      %gt3A_133 = arith.cmpi sgt, %add3A_131, %gt3A_132 : i32
      %convert_element_type3A_134 = arith.extui %gt3A_133 : i1 to i32
      %cond3A_135 = arith.constant 0 : i32
      %cond3A_136 = arith.cmpi ne, %convert_element_type3A_134, %cond3A_135 : i32
      scf.if %cond3A_136 {
        %add3A_188 = arith.constant 2048 : i32
        %add3A_189 = arith.addi %min3A_129, %add3A_188 : i32
        %sub3A_190 = arith.constant 1000000 : i32
        %sub3A_191 = arith.subi %add3A_189, %sub3A_190 : i32
        %jit3A_192 = arith.constant 16 : i32
        %div3A = arith.divsi %sub3A_191, %jit3A_192 : i32
        %sign3A = arith.constant 0 : i32
        %sign3A_193 = arith.cmpi sgt, %sub3A_191, %sign3A : i32
        %sign3A_194 = arith.extui %sign3A_193 : i1 to i32
        %sign3A_195 = arith.constant 0 : i32
        %sign3A_196 = arith.cmpi slt, %sub3A_191, %sign3A_195 : i32
        %sign3A_197 = arith.extui %sign3A_196 : i1 to i32
        %sign3A_198 = arith.subi %sign3A_194, %sign3A_197 : i32
        %sign3A_199 = arith.constant 0 : i32
        %sign3A_200 = arith.cmpi sgt, %jit3A_192, %sign3A_199 : i32
        %sign3A_201 = arith.extui %sign3A_200 : i1 to i32
        %sign3A_202 = arith.constant 0 : i32
        %sign3A_203 = arith.cmpi slt, %jit3A_192, %sign3A_202 : i32
        %sign3A_204 = arith.extui %sign3A_203 : i1 to i32
        %sign3A_205 = arith.subi %sign3A_201, %sign3A_204 : i32
        %ne3A = arith.cmpi ne, %sign3A_198, %sign3A_205 : i32
        %rem3A = arith.remsi %sub3A_191, %jit3A_192 : i32
        %ne3A_206 = arith.constant 0 : i32
        %ne3A_207 = arith.cmpi ne, %rem3A, %ne3A_206 : i32
        %and3A = arith.andi %ne3A, %ne3A_207 : i1
        %sub3A_208 = arith.constant 1 : i32
        %sub3A_209 = arith.subi %div3A, %sub3A_208 : i32
        %select_n3A_210 = arith.select %and3A, %sub3A_209, %div3A : i32
        %while3A = arith.constant 0 : i32
        %while3A_211 = arith.constant 0 : i32
        %while3A_212 = arith.subi %select_n3A_210, %while3A : i32
        %while3A_213 = arith.addi %while3A, %while3A_212 : i32
        %while3A_214 = arith.constant 1 : i32
        %while3A_215 = arith.divsi %while3A_212, %while3A_214 : i32
        %while3A_216 = arith.muli %while3A_215, %while3A_214 : i32
        %while3A_217 = arith.addi %while3A, %while3A_216 : i32
        %while3A_218 = arith.constant 1 : i32
        %while3A_219 = scf.for %while3A_222 = %while3A to %while3A_217 step %while3A_218 iter_args(%while3A_223 = %while3A_211) -> (i32)  : i32 {
          %sub3A_224 = arith.constant 1000000 : i32
          %sub3A_225 = arith.subi %sub3A_224, %min3A_129 : i32
          %mul3A_226 = arith.constant 16 : i32
          %mul3A_227 = arith.muli %while3A_222, %mul3A_226 : i32
          %add3A_228 = arith.addi %sub3A_225, %mul3A_227 : i32
          %swap3A_229 = arith.constant 0 : i32
          %swap3A_230 = arith.index_cast %swap3A_229 : i32 to index
          %swap3A_231 = arith.index_cast %add3A_228 : i32 to index
          %swap3A_232 = tpu.vector_load %arg6[%swap3A_230, %swap3A_231] {strides = array<i32>} : memref<16x2048xf32, #tpu.memory_space<vmem>>, vector<16xf32>,
          tpu.vector_store %arg6[%swap3A_230, %swap3A_231], %broadcast_in_dim3A_70 {strides = array<i32>} : memref<16x2048xf32, #tpu.memory_space<vmem>>, vector<16xf32>,
          %sub3A_233 = arith.constant 1000000 : i32
          %sub3A_234 = arith.subi %sub3A_233, %min3A_129 : i32
          %mul3A_235 = arith.constant 16 : i32
          %mul3A_236 = arith.muli %while3A_222, %mul3A_235 : i32
          %add3A_237 = arith.addi %sub3A_234, %mul3A_236 : i32
          %swap3A_238 = arith.constant 1 : i32
          %swap3A_239 = arith.index_cast %swap3A_238 : i32 to index
          %swap3A_240 = arith.index_cast %add3A_237 : i32 to index
          %swap3A_241 = tpu.vector_load %arg6[%swap3A_239, %swap3A_240] {strides = array<i32>} : memref<16x2048xf32, #tpu.memory_space<vmem>>, vector<16xf32>,
          tpu.vector_store %arg6[%swap3A_239, %swap3A_240], %broadcast_in_dim3A_70 {strides = array<i32>} : memref<16x2048xf32, #tpu.memory_space<vmem>>, vector<16xf32>,
          %sub3A_242 = arith.constant 1000000 : i32
          %sub3A_243 = arith.subi %sub3A_242, %min3A_129 : i32
          %mul3A_244 = arith.constant 16 : i32
          %mul3A_245 = arith.muli %while3A_222, %mul3A_244 : i32
          %add3A_246 = arith.addi %sub3A_243, %mul3A_245 : i32
          %swap3A_247 = arith.constant 2 : i32
          %swap3A_248 = arith.index_cast %swap3A_247 : i32 to index
          %swap3A_249 = arith.index_cast %add3A_246 : i32 to index
          %swap3A_250 = tpu.vector_load %arg6[%swap3A_248, %swap3A_249] {strides = array<i32>} : memref<16x2048xf32, #tpu.memory_space<vmem>>, vector<16xf32>,
          tpu.vector_store %arg6[%swap3A_248, %swap3A_249], %broadcast_in_dim3A_70 {strides = array<i32>} : memref<16x2048xf32, #tpu.memory_space<vmem>>, vector<16xf32>,
          %sub3A_251 = arith.constant 1000000 : i32
          %sub3A_252 = arith.subi %sub3A_251, %min3A_129 : i32
          %mul3A_253 = arith.constant 16 : i32
          %mul3A_254 = arith.muli %while3A_222, %mul3A_253 : i32
          %add3A_255 = arith.addi %sub3A_252, %mul3A_254 : i32
          %swap3A_256 = arith.constant 3 : i32
          %swap3A_257 = arith.index_cast %swap3A_256 : i32 to index
          %swap3A_258 = arith.index_cast %add3A_255 : i32 to index
          %swap3A_259 = tpu.vector_load %arg6[%swap3A_257, %swap3A_258] {strides = array<i32>} : memref<16x2048xf32, #tpu.memory_space<vmem>>, vector<16xf32>,
          tpu.vector_store %arg6[%swap3A_257, %swap3A_258], %broadcast_in_dim3A_70 {strides = array<i32>} : memref<16x2048xf32, #tpu.memory_space<vmem>>, vector<16xf32>,
          %sub3A_260 = arith.constant 1000000 : i32
          %sub3A_261 = arith.subi %sub3A_260, %min3A_129 : i32
          %mul3A_262 = arith.constant 16 : i32
          %mul3A_263 = arith.muli %while3A_222, %mul3A_262 : i32
          %add3A_264 = arith.addi %sub3A_261, %mul3A_263 : i32
          %swap3A_265 = arith.constant 4 : i32
          %swap3A_266 = arith.index_cast %swap3A_265 : i32 to index
          %swap3A_267 = arith.index_cast %add3A_264 : i32 to index
          %swap3A_268 = tpu.vector_load %arg6[%swap3A_266, %swap3A_267] {strides = array<i32>} : memref<16x2048xf32, #tpu.memory_space<vmem>>, vector<16xf32>,
          tpu.vector_store %arg6[%swap3A_266, %swap3A_267], %broadcast_in_dim3A_70 {strides = array<i32>} : memref<16x2048xf32, #tpu.memory_space<vmem>>, vector<16xf32>,
          %sub3A_269 = arith.constant 1000000 : i32
          %sub3A_270 = arith.subi %sub3A_269, %min3A_129 : i32
          %mul3A_271 = arith.constant 16 : i32
          %mul3A_272 = arith.muli %while3A_222, %mul3A_271 : i32
          %add3A_273 = arith.addi %sub3A_270, %mul3A_272 : i32
          %swap3A_274 = arith.constant 5 : i32
          %swap3A_275 = arith.index_cast %swap3A_274 : i32 to index
          %swap3A_276 = arith.index_cast %add3A_273 : i32 to index
          %swap3A_277 = tpu.vector_load %arg6[%swap3A_275, %swap3A_276] {strides = array<i32>} : memref<16x2048xf32, #tpu.memory_space<vmem>>, vector<16xf32>,
          tpu.vector_store %arg6[%swap3A_275, %swap3A_276], %broadcast_in_dim3A_70 {strides = array<i32>} : memref<16x2048xf32, #tpu.memory_space<vmem>>, vector<16xf32>,
          %sub3A_278 = arith.constant 1000000 : i32
          %sub3A_279 = arith.subi %sub3A_278, %min3A_129 : i32
          %mul3A_280 = arith.constant 16 : i32
          %mul3A_281 = arith.muli %while3A_222, %mul3A_280 : i32
          %add3A_282 = arith.addi %sub3A_279, %mul3A_281 : i32
          %swap3A_283 = arith.constant 6 : i32
          %swap3A_284 = arith.index_cast %swap3A_283 : i32 to index
          %swap3A_285 = arith.index_cast %add3A_282 : i32 to index
          %swap3A_286 = tpu.vector_load %arg6[%swap3A_284, %swap3A_285] {strides = array<i32>} : memref<16x2048xf32, #tpu.memory_space<vmem>>, vector<16xf32>,
          tpu.vector_store %arg6[%swap3A_284, %swap3A_285], %broadcast_in_dim3A_70 {strides = array<i32>} : memref<16x2048xf32, #tpu.memory_space<vmem>>, vector<16xf32>,
          %sub3A_287 = arith.constant 1000000 : i32
          %sub3A_288 = arith.subi %sub3A_287, %min3A_129 : i32
          %mul3A_289 = arith.constant 16 : i32
          %mul3A_290 = arith.muli %while3A_222, %mul3A_289 : i32
          %add3A_291 = arith.addi %sub3A_288, %mul3A_290 : i32
          %swap3A_292 = arith.constant 7 : i32
          %swap3A_293 = arith.index_cast %swap3A_292 : i32 to index
          %swap3A_294 = arith.index_cast %add3A_291 : i32 to index
          %swap3A_295 = tpu.vector_load %arg6[%swap3A_293, %swap3A_294] {strides = array<i32>} : memref<16x2048xf32, #tpu.memory_space<vmem>>, vector<16xf32>,
          tpu.vector_store %arg6[%swap3A_293, %swap3A_294], %broadcast_in_dim3A_70 {strides = array<i32>} : memref<16x2048xf32, #tpu.memory_space<vmem>>, vector<16xf32>,
          %sub3A_296 = arith.constant 1000000 : i32
          %sub3A_297 = arith.subi %sub3A_296, %min3A_129 : i32
          %mul3A_298 = arith.constant 16 : i32
          %mul3A_299 = arith.muli %while3A_222, %mul3A_298 : i32
          %add3A_300 = arith.addi %sub3A_297, %mul3A_299 : i32
          %swap3A_301 = arith.constant 8 : i32
          %swap3A_302 = arith.index_cast %swap3A_301 : i32 to index
          %swap3A_303 = arith.index_cast %add3A_300 : i32 to index
          %swap3A_304 = tpu.vector_load %arg6[%swap3A_302, %swap3A_303] {strides = array<i32>} : memref<16x2048xf32, #tpu.memory_space<vmem>>, vector<16xf32>,
          tpu.vector_store %arg6[%swap3A_302, %swap3A_303], %broadcast_in_dim3A_70 {strides = array<i32>} : memref<16x2048xf32, #tpu.memory_space<vmem>>, vector<16xf32>,
          %sub3A_305 = arith.constant 1000000 : i32
          %sub3A_306 = arith.subi %sub3A_305, %min3A_129 : i32
          %mul3A_307 = arith.constant 16 : i32
          %mul3A_308 = arith.muli %while3A_222, %mul3A_307 : i32
          %add3A_309 = arith.addi %sub3A_306, %mul3A_308 : i32
          %swap3A_310 = arith.constant 9 : i32
          %swap3A_311 = arith.index_cast %swap3A_310 : i32 to index
          %swap3A_312 = arith.index_cast %add3A_309 : i32 to index
          %swap3A_313 = tpu.vector_load %arg6[%swap3A_311, %swap3A_312] {strides = array<i32>} : memref<16x2048xf32, #tpu.memory_space<vmem>>, vector<16xf32>,
          tpu.vector_store %arg6[%swap3A_311, %swap3A_312], %broadcast_in_dim3A_70 {strides = array<i32>} : memref<16x2048xf32, #tpu.memory_space<vmem>>, vector<16xf32>,
          %sub3A_314 = arith.constant 1000000 : i32
          %sub3A_315 = arith.subi %sub3A_314, %min3A_129 : i32
          %mul3A_316 = arith.constant 16 : i32
          %mul3A_317 = arith.muli %while3A_222, %mul3A_316 : i32
          %add3A_318 = arith.addi %sub3A_315, %mul3A_317 : i32
          %swap3A_319 = arith.constant 10 : i32
          %swap3A_320 = arith.index_cast %swap3A_319 : i32 to index
          %swap3A_321 = arith.index_cast %add3A_318 : i32 to index
          %swap3A_322 = tpu.vector_load %arg6[%swap3A_320, %swap3A_321] {strides = array<i32>} : memref<16x2048xf32, #tpu.memory_space<vmem>>, vector<16xf32>,
          tpu.vector_store %arg6[%swap3A_320, %swap3A_321], %broadcast_in_dim3A_70 {strides = array<i32>} : memref<16x2048xf32, #tpu.memory_space<vmem>>, vector<16xf32>,
          %sub3A_323 = arith.constant 1000000 : i32
          %sub3A_324 = arith.subi %sub3A_323, %min3A_129 : i32
          %mul3A_325 = arith.constant 16 : i32
          %mul3A_326 = arith.muli %while3A_222, %mul3A_325 : i32
          %add3A_327 = arith.addi %sub3A_324, %mul3A_326 : i32
          %swap3A_328 = arith.constant 11 : i32
          %swap3A_329 = arith.index_cast %swap3A_328 : i32 to index
          %swap3A_330 = arith.index_cast %add3A_327 : i32 to index
          %swap3A_331 = tpu.vector_load %arg6[%swap3A_329, %swap3A_330] {strides = array<i32>} : memref<16x2048xf32, #tpu.memory_space<vmem>>, vector<16xf32>,
          tpu.vector_store %arg6[%swap3A_329, %swap3A_330], %broadcast_in_dim3A_70 {strides = array<i32>} : memref<16x2048xf32, #tpu.memory_space<vmem>>, vector<16xf32>,
          %sub3A_332 = arith.constant 1000000 : i32
          %sub3A_333 = arith.subi %sub3A_332, %min3A_129 : i32
          %mul3A_334 = arith.constant 16 : i32
          %mul3A_335 = arith.muli %while3A_222, %mul3A_334 : i32
          %add3A_336 = arith.addi %sub3A_333, %mul3A_335 : i32
          %swap3A_337 = arith.constant 12 : i32
          %swap3A_338 = arith.index_cast %swap3A_337 : i32 to index
          %swap3A_339 = arith.index_cast %add3A_336 : i32 to index
          %swap3A_340 = tpu.vector_load %arg6[%swap3A_338, %swap3A_339] {strides = array<i32>} : memref<16x2048xf32, #tpu.memory_space<vmem>>, vector<16xf32>,
          tpu.vector_store %arg6[%swap3A_338, %swap3A_339], %broadcast_in_dim3A_70 {strides = array<i32>} : memref<16x2048xf32, #tpu.memory_space<vmem>>, vector<16xf32>,
          %sub3A_341 = arith.constant 1000000 : i32
          %sub3A_342 = arith.subi %sub3A_341, %min3A_129 : i32
          %mul3A_343 = arith.constant 16 : i32
          %mul3A_344 = arith.muli %while3A_222, %mul3A_343 : i32
          %add3A_345 = arith.addi %sub3A_342, %mul3A_344 : i32
          %swap3A_346 = arith.constant 13 : i32
          %swap3A_347 = arith.index_cast %swap3A_346 : i32 to index
          %swap3A_348 = arith.index_cast %add3A_345 : i32 to index
          %swap3A_349 = tpu.vector_load %arg6[%swap3A_347, %swap3A_348] {strides = array<i32>} : memref<16x2048xf32, #tpu.memory_space<vmem>>, vector<16xf32>,
          tpu.vector_store %arg6[%swap3A_347, %swap3A_348], %broadcast_in_dim3A_70 {strides = array<i32>} : memref<16x2048xf32, #tpu.memory_space<vmem>>, vector<16xf32>,
          %sub3A_350 = arith.constant 1000000 : i32
          %sub3A_351 = arith.subi %sub3A_350, %min3A_129 : i32
          %mul3A_352 = arith.constant 16 : i32
          %mul3A_353 = arith.muli %while3A_222, %mul3A_352 : i32
          %add3A_354 = arith.addi %sub3A_351, %mul3A_353 : i32
          %swap3A_355 = arith.constant 14 : i32
          %swap3A_356 = arith.index_cast %swap3A_355 : i32 to index
          %swap3A_357 = arith.index_cast %add3A_354 : i32 to index
          %swap3A_358 = tpu.vector_load %arg6[%swap3A_356, %swap3A_357] {strides = array<i32>} : memref<16x2048xf32, #tpu.memory_space<vmem>>, vector<16xf32>,
          tpu.vector_store %arg6[%swap3A_356, %swap3A_357], %broadcast_in_dim3A_70 {strides = array<i32>} : memref<16x2048xf32, #tpu.memory_space<vmem>>, vector<16xf32>,
          %sub3A_359 = arith.constant 1000000 : i32
          %sub3A_360 = arith.subi %sub3A_359, %min3A_129 : i32
          %mul3A_361 = arith.constant 16 : i32
          %mul3A_362 = arith.muli %while3A_222, %mul3A_361 : i32
          %add3A_363 = arith.addi %sub3A_360, %mul3A_362 : i32
          %swap3A_364 = arith.constant 15 : i32
          %swap3A_365 = arith.index_cast %swap3A_364 : i32 to index
          %swap3A_366 = arith.index_cast %add3A_363 : i32 to index
          %swap3A_367 = tpu.vector_load %arg6[%swap3A_365, %swap3A_366] {strides = array<i32>} : memref<16x2048xf32, #tpu.memory_space<vmem>>, vector<16xf32>,
          tpu.vector_store %arg6[%swap3A_365, %swap3A_366], %broadcast_in_dim3A_70 {strides = array<i32>} : memref<16x2048xf32, #tpu.memory_space<vmem>>, vector<16xf32>,
          %while3A_368 = arith.constant 0 : i32
          scf.yield %while3A_368 : i32
        }
        %while3A_220 = arith.constant 1 : i32
        %while3A_221 = scf.for %while3A_222 = %while3A_217 to %while3A_213 step %while3A_220 iter_args(%while3A_223 = %while3A_219) -> (i32)  : i32 {
          %sub3A_224 = arith.constant 1000000 : i32
          %sub3A_225 = arith.subi %sub3A_224, %min3A_129 : i32
          %mul3A_226 = arith.constant 16 : i32
          %mul3A_227 = arith.muli %while3A_222, %mul3A_226 : i32
          %add3A_228 = arith.addi %sub3A_225, %mul3A_227 : i32
          %swap3A_229 = arith.constant 0 : i32
          %swap3A_230 = arith.index_cast %swap3A_229 : i32 to index
          %swap3A_231 = arith.index_cast %add3A_228 : i32 to index
          %swap3A_232 = tpu.vector_load %arg6[%swap3A_230, %swap3A_231] {strides = array<i32>} : memref<16x2048xf32, #tpu.memory_space<vmem>>, vector<16xf32>,
          tpu.vector_store %arg6[%swap3A_230, %swap3A_231], %broadcast_in_dim3A_70 {strides = array<i32>} : memref<16x2048xf32, #tpu.memory_space<vmem>>, vector<16xf32>,
          %sub3A_233 = arith.constant 1000000 : i32
          %sub3A_234 = arith.subi %sub3A_233, %min3A_129 : i32
          %mul3A_235 = arith.constant 16 : i32
          %mul3A_236 = arith.muli %while3A_222, %mul3A_235 : i32
          %add3A_237 = arith.addi %sub3A_234, %mul3A_236 : i32
          %swap3A_238 = arith.constant 1 : i32
          %swap3A_239 = arith.index_cast %swap3A_238 : i32 to index
          %swap3A_240 = arith.index_cast %add3A_237 : i32 to index
          %swap3A_241 = tpu.vector_load %arg6[%swap3A_239, %swap3A_240] {strides = array<i32>} : memref<16x2048xf32, #tpu.memory_space<vmem>>, vector<16xf32>,
          tpu.vector_store %arg6[%swap3A_239, %swap3A_240], %broadcast_in_dim3A_70 {strides = array<i32>} : memref<16x2048xf32, #tpu.memory_space<vmem>>, vector<16xf32>,
          %sub3A_242 = arith.constant 1000000 : i32
          %sub3A_243 = arith.subi %sub3A_242, %min3A_129 : i32
          %mul3A_244 = arith.constant 16 : i32
          %mul3A_245 = arith.muli %while3A_222, %mul3A_244 : i32
          %add3A_246 = arith.addi %sub3A_243, %mul3A_245 : i32
          %swap3A_247 = arith.constant 2 : i32
          %swap3A_248 = arith.index_cast %swap3A_247 : i32 to index
          %swap3A_249 = arith.index_cast %add3A_246 : i32 to index
          %swap3A_250 = tpu.vector_load %arg6[%swap3A_248, %swap3A_249] {strides = array<i32>} : memref<16x2048xf32, #tpu.memory_space<vmem>>, vector<16xf32>,
          tpu.vector_store %arg6[%swap3A_248, %swap3A_249], %broadcast_in_dim3A_70 {strides = array<i32>} : memref<16x2048xf32, #tpu.memory_space<vmem>>, vector<16xf32>,
          %sub3A_251 = arith.constant 1000000 : i32
          %sub3A_252 = arith.subi %sub3A_251, %min3A_129 : i32
          %mul3A_253 = arith.constant 16 : i32
          %mul3A_254 = arith.muli %while3A_222, %mul3A_253 : i32
          %add3A_255 = arith.addi %sub3A_252, %mul3A_254 : i32
          %swap3A_256 = arith.constant 3 : i32
          %swap3A_257 = arith.index_cast %swap3A_256 : i32 to index
          %swap3A_258 = arith.index_cast %add3A_255 : i32 to index
          %swap3A_259 = tpu.vector_load %arg6[%swap3A_257, %swap3A_258] {strides = array<i32>} : memref<16x2048xf32, #tpu.memory_space<vmem>>, vector<16xf32>,
          tpu.vector_store %arg6[%swap3A_257, %swap3A_258], %broadcast_in_dim3A_70 {strides = array<i32>} : memref<16x2048xf32, #tpu.memory_space<vmem>>, vector<16xf32>,
          %sub3A_260 = arith.constant 1000000 : i32
          %sub3A_261 = arith.subi %sub3A_260, %min3A_129 : i32
          %mul3A_262 = arith.constant 16 : i32
          %mul3A_263 = arith.muli %while3A_222, %mul3A_262 : i32
          %add3A_264 = arith.addi %sub3A_261, %mul3A_263 : i32
          %swap3A_265 = arith.constant 4 : i32
          %swap3A_266 = arith.index_cast %swap3A_265 : i32 to index
          %swap3A_267 = arith.index_cast %add3A_264 : i32 to index
          %swap3A_268 = tpu.vector_load %arg6[%swap3A_266, %swap3A_267] {strides = array<i32>} : memref<16x2048xf32, #tpu.memory_space<vmem>>, vector<16xf32>,
          tpu.vector_store %arg6[%swap3A_266, %swap3A_267], %broadcast_in_dim3A_70 {strides = array<i32>} : memref<16x2048xf32, #tpu.memory_space<vmem>>, vector<16xf32>,
          %sub3A_269 = arith.constant 1000000 : i32
          %sub3A_270 = arith.subi %sub3A_269, %min3A_129 : i32
          %mul3A_271 = arith.constant 16 : i32
          %mul3A_272 = arith.muli %while3A_222, %mul3A_271 : i32
          %add3A_273 = arith.addi %sub3A_270, %mul3A_272 : i32
          %swap3A_274 = arith.constant 5 : i32
          %swap3A_275 = arith.index_cast %swap3A_274 : i32 to index
          %swap3A_276 = arith.index_cast %add3A_273 : i32 to index
          %swap3A_277 = tpu.vector_load %arg6[%swap3A_275, %swap3A_276] {strides = array<i32>} : memref<16x2048xf32, #tpu.memory_space<vmem>>, vector<16xf32>,
          tpu.vector_store %arg6[%swap3A_275, %swap3A_276], %broadcast_in_dim3A_70 {strides = array<i32>} : memref<16x2048xf32, #tpu.memory_space<vmem>>, vector<16xf32>,
          %sub3A_278 = arith.constant 1000000 : i32
          %sub3A_279 = arith.subi %sub3A_278, %min3A_129 : i32
          %mul3A_280 = arith.constant 16 : i32
          %mul3A_281 = arith.muli %while3A_222, %mul3A_280 : i32
          %add3A_282 = arith.addi %sub3A_279, %mul3A_281 : i32
          %swap3A_283 = arith.constant 6 : i32
          %swap3A_284 = arith.index_cast %swap3A_283 : i32 to index
          %swap3A_285 = arith.index_cast %add3A_282 : i32 to index
          %swap3A_286 = tpu.vector_load %arg6[%swap3A_284, %swap3A_285] {strides = array<i32>} : memref<16x2048xf32, #tpu.memory_space<vmem>>, vector<16xf32>,
          tpu.vector_store %arg6[%swap3A_284, %swap3A_285], %broadcast_in_dim3A_70 {strides = array<i32>} : memref<16x2048xf32, #tpu.memory_space<vmem>>, vector<16xf32>,
          %sub3A_287 = arith.constant 1000000 : i32
          %sub3A_288 = arith.subi %sub3A_287, %min3A_129 : i32
          %mul3A_289 = arith.constant 16 : i32
          %mul3A_290 = arith.muli %while3A_222, %mul3A_289 : i32
          %add3A_291 = arith.addi %sub3A_288, %mul3A_290 : i32
          %swap3A_292 = arith.constant 7 : i32
          %swap3A_293 = arith.index_cast %swap3A_292 : i32 to index
          %swap3A_294 = arith.index_cast %add3A_291 : i32 to index
          %swap3A_295 = tpu.vector_load %arg6[%swap3A_293, %swap3A_294] {strides = array<i32>} : memref<16x2048xf32, #tpu.memory_space<vmem>>, vector<16xf32>,
          tpu.vector_store %arg6[%swap3A_293, %swap3A_294], %broadcast_in_dim3A_70 {strides = array<i32>} : memref<16x2048xf32, #tpu.memory_space<vmem>>, vector<16xf32>,
          %sub3A_296 = arith.constant 1000000 : i32
          %sub3A_297 = arith.subi %sub3A_296, %min3A_129 : i32
          %mul3A_298 = arith.constant 16 : i32
          %mul3A_299 = arith.muli %while3A_222, %mul3A_298 : i32
          %add3A_300 = arith.addi %sub3A_297, %mul3A_299 : i32
          %swap3A_301 = arith.constant 8 : i32
          %swap3A_302 = arith.index_cast %swap3A_301 : i32 to index
          %swap3A_303 = arith.index_cast %add3A_300 : i32 to index
          %swap3A_304 = tpu.vector_load %arg6[%swap3A_302, %swap3A_303] {strides = array<i32>} : memref<16x2048xf32, #tpu.memory_space<vmem>>, vector<16xf32>,
          tpu.vector_store %arg6[%swap3A_302, %swap3A_303], %broadcast_in_dim3A_70 {strides = array<i32>} : memref<16x2048xf32, #tpu.memory_space<vmem>>, vector<16xf32>,
          %sub3A_305 = arith.constant 1000000 : i32
          %sub3A_306 = arith.subi %sub3A_305, %min3A_129 : i32
          %mul3A_307 = arith.constant 16 : i32
          %mul3A_308 = arith.muli %while3A_222, %mul3A_307 : i32
          %add3A_309 = arith.addi %sub3A_306, %mul3A_308 : i32
          %swap3A_310 = arith.constant 9 : i32
          %swap3A_311 = arith.index_cast %swap3A_310 : i32 to index
          %swap3A_312 = arith.index_cast %add3A_309 : i32 to index
          %swap3A_313 = tpu.vector_load %arg6[%swap3A_311, %swap3A_312] {strides = array<i32>} : memref<16x2048xf32, #tpu.memory_space<vmem>>, vector<16xf32>,
          tpu.vector_store %arg6[%swap3A_311, %swap3A_312], %broadcast_in_dim3A_70 {strides = array<i32>} : memref<16x2048xf32, #tpu.memory_space<vmem>>, vector<16xf32>,
          %sub3A_314 = arith.constant 1000000 : i32
          %sub3A_315 = arith.subi %sub3A_314, %min3A_129 : i32
          %mul3A_316 = arith.constant 16 : i32
          %mul3A_317 = arith.muli %while3A_222, %mul3A_316 : i32
          %add3A_318 = arith.addi %sub3A_315, %mul3A_317 : i32
          %swap3A_319 = arith.constant 10 : i32
          %swap3A_320 = arith.index_cast %swap3A_319 : i32 to index
          %swap3A_321 = arith.index_cast %add3A_318 : i32 to index
          %swap3A_322 = tpu.vector_load %arg6[%swap3A_320, %swap3A_321] {strides = array<i32>} : memref<16x2048xf32, #tpu.memory_space<vmem>>, vector<16xf32>,
          tpu.vector_store %arg6[%swap3A_320, %swap3A_321], %broadcast_in_dim3A_70 {strides = array<i32>} : memref<16x2048xf32, #tpu.memory_space<vmem>>, vector<16xf32>,
          %sub3A_323 = arith.constant 1000000 : i32
          %sub3A_324 = arith.subi %sub3A_323, %min3A_129 : i32
          %mul3A_325 = arith.constant 16 : i32
          %mul3A_326 = arith.muli %while3A_222, %mul3A_325 : i32
          %add3A_327 = arith.addi %sub3A_324, %mul3A_326 : i32
          %swap3A_328 = arith.constant 11 : i32
          %swap3A_329 = arith.index_cast %swap3A_328 : i32 to index
          %swap3A_330 = arith.index_cast %add3A_327 : i32 to index
          %swap3A_331 = tpu.vector_load %arg6[%swap3A_329, %swap3A_330] {strides = array<i32>} : memref<16x2048xf32, #tpu.memory_space<vmem>>, vector<16xf32>,
          tpu.vector_store %arg6[%swap3A_329, %swap3A_330], %broadcast_in_dim3A_70 {strides = array<i32>} : memref<16x2048xf32, #tpu.memory_space<vmem>>, vector<16xf32>,
          %sub3A_332 = arith.constant 1000000 : i32
          %sub3A_333 = arith.subi %sub3A_332, %min3A_129 : i32
          %mul3A_334 = arith.constant 16 : i32
          %mul3A_335 = arith.muli %while3A_222, %mul3A_334 : i32
          %add3A_336 = arith.addi %sub3A_333, %mul3A_335 : i32
          %swap3A_337 = arith.constant 12 : i32
          %swap3A_338 = arith.index_cast %swap3A_337 : i32 to index
          %swap3A_339 = arith.index_cast %add3A_336 : i32 to index
          %swap3A_340 = tpu.vector_load %arg6[%swap3A_338, %swap3A_339] {strides = array<i32>} : memref<16x2048xf32, #tpu.memory_space<vmem>>, vector<16xf32>,
          tpu.vector_store %arg6[%swap3A_338, %swap3A_339], %broadcast_in_dim3A_70 {strides = array<i32>} : memref<16x2048xf32, #tpu.memory_space<vmem>>, vector<16xf32>,
          %sub3A_341 = arith.constant 1000000 : i32
          %sub3A_342 = arith.subi %sub3A_341, %min3A_129 : i32
          %mul3A_343 = arith.constant 16 : i32
          %mul3A_344 = arith.muli %while3A_222, %mul3A_343 : i32
          %add3A_345 = arith.addi %sub3A_342, %mul3A_344 : i32
          %swap3A_346 = arith.constant 13 : i32
          %swap3A_347 = arith.index_cast %swap3A_346 : i32 to index
          %swap3A_348 = arith.index_cast %add3A_345 : i32 to index
          %swap3A_349 = tpu.vector_load %arg6[%swap3A_347, %swap3A_348] {strides = array<i32>} : memref<16x2048xf32, #tpu.memory_space<vmem>>, vector<16xf32>,
          tpu.vector_store %arg6[%swap3A_347, %swap3A_348], %broadcast_in_dim3A_70 {strides = array<i32>} : memref<16x2048xf32, #tpu.memory_space<vmem>>, vector<16xf32>,
          %sub3A_350 = arith.constant 1000000 : i32
          %sub3A_351 = arith.subi %sub3A_350, %min3A_129 : i32
          %mul3A_352 = arith.constant 16 : i32
          %mul3A_353 = arith.muli %while3A_222, %mul3A_352 : i32
          %add3A_354 = arith.addi %sub3A_351, %mul3A_353 : i32
          %swap3A_355 = arith.constant 14 : i32
          %swap3A_356 = arith.index_cast %swap3A_355 : i32 to index
          %swap3A_357 = arith.index_cast %add3A_354 : i32 to index
          %swap3A_358 = tpu.vector_load %arg6[%swap3A_356, %swap3A_357] {strides = array<i32>} : memref<16x2048xf32, #tpu.memory_space<vmem>>, vector<16xf32>,
          tpu.vector_store %arg6[%swap3A_356, %swap3A_357], %broadcast_in_dim3A_70 {strides = array<i32>} : memref<16x2048xf32, #tpu.memory_space<vmem>>, vector<16xf32>,
          %sub3A_359 = arith.constant 1000000 : i32
          %sub3A_360 = arith.subi %sub3A_359, %min3A_129 : i32
          %mul3A_361 = arith.constant 16 : i32
          %mul3A_362 = arith.muli %while3A_222, %mul3A_361 : i32
          %add3A_363 = arith.addi %sub3A_360, %mul3A_362 : i32
          %swap3A_364 = arith.constant 15 : i32
          %swap3A_365 = arith.index_cast %swap3A_364 : i32 to index
          %swap3A_366 = arith.index_cast %add3A_363 : i32 to index
          %swap3A_367 = tpu.vector_load %arg6[%swap3A_365, %swap3A_366] {strides = array<i32>} : memref<16x2048xf32, #tpu.memory_space<vmem>>, vector<16xf32>,
          tpu.vector_store %arg6[%swap3A_365, %swap3A_366], %broadcast_in_dim3A_70 {strides = array<i32>} : memref<16x2048xf32, #tpu.memory_space<vmem>>, vector<16xf32>,
          %while3A_368 = arith.constant 0 : i32
          scf.yield %while3A_368 : i32
        }
      } else {
      }
      %add3A_137 = vector.broadcast %min3A_129 : i32 to vector<16xi32>
      %add3A_138 = arith.addi %add3A_137, %iota3A : vector<16xi32>
      %scan3A_139 = arith.constant 0 : i32
      %scan3A_140 = arith.constant 128 : i32
      %scan3A_141 = arith.addi %scan3A_139, %scan3A_140 : i32
      %scan3A_142 = arith.constant 1 : i32
      %scan3A_143:2 = scf.for %scan3A_188 = %scan3A_139 to %scan3A_141 step %scan3A_142 iter_args(%scan3A_189 = %scan3A_114, %scan3A_190 = %scan3A_115) -> (vector<16xf32>, vector<16xi32>)  : i32 {
        %mul3A_191 = arith.constant 16 : i32
        %mul3A_192 = arith.muli %scan3A_188, %mul3A_191 : i32
        %get3A_193 = arith.constant 0 : i32
        %get3A_194 = arith.index_cast %get3A_193 : i32 to index
        %get3A_195 = arith.index_cast %mul3A_192 : i32 to index
        %get3A_196 = tpu.vector_load %arg6[%get3A_194, %get3A_195] {strides = array<i32>} : memref<16x2048xf32, #tpu.memory_space<vmem>>, vector<16xf32>,
        %sub3A_197 = arith.subf %get3A_196, %broadcast_in_dim3A : vector<16xf32>
        %mul3A_198 = arith.mulf %sub3A_197, %sub3A_197 : vector<16xf32>
        %get3A_199 = arith.constant 1 : i32
        %get3A_200 = arith.index_cast %get3A_199 : i32 to index
        %get3A_201 = arith.index_cast %mul3A_192 : i32 to index
        %get3A_202 = tpu.vector_load %arg6[%get3A_200, %get3A_201] {strides = array<i32>} : memref<16x2048xf32, #tpu.memory_space<vmem>>, vector<16xf32>,
        %sub3A_203 = arith.subf %get3A_202, %broadcast_in_dim3A_22 : vector<16xf32>
        %mul3A_204 = arith.mulf %sub3A_203, %sub3A_203 : vector<16xf32>
        %get3A_205 = arith.constant 2 : i32
        %get3A_206 = arith.index_cast %get3A_205 : i32 to index
        %get3A_207 = arith.index_cast %mul3A_192 : i32 to index
        %get3A_208 = tpu.vector_load %arg6[%get3A_206, %get3A_207] {strides = array<i32>} : memref<16x2048xf32, #tpu.memory_space<vmem>>, vector<16xf32>,
        %sub3A_209 = arith.subf %get3A_208, %broadcast_in_dim3A_25 : vector<16xf32>
        %mul3A_210 = arith.mulf %sub3A_209, %sub3A_209 : vector<16xf32>
        %get3A_211 = arith.constant 3 : i32
        %get3A_212 = arith.index_cast %get3A_211 : i32 to index
        %get3A_213 = arith.index_cast %mul3A_192 : i32 to index
        %get3A_214 = tpu.vector_load %arg6[%get3A_212, %get3A_213] {strides = array<i32>} : memref<16x2048xf32, #tpu.memory_space<vmem>>, vector<16xf32>,
        %sub3A_215 = arith.subf %get3A_214, %broadcast_in_dim3A_28 : vector<16xf32>
        %mul3A_216 = arith.mulf %sub3A_215, %sub3A_215 : vector<16xf32>
        %get3A_217 = arith.constant 4 : i32
        %get3A_218 = arith.index_cast %get3A_217 : i32 to index
        %get3A_219 = arith.index_cast %mul3A_192 : i32 to index
        %get3A_220 = tpu.vector_load %arg6[%get3A_218, %get3A_219] {strides = array<i32>} : memref<16x2048xf32, #tpu.memory_space<vmem>>, vector<16xf32>,
        %sub3A_221 = arith.subf %get3A_220, %broadcast_in_dim3A_31 : vector<16xf32>
        %mul3A_222 = arith.mulf %sub3A_221, %sub3A_221 : vector<16xf32>
        %get3A_223 = arith.constant 5 : i32
        %get3A_224 = arith.index_cast %get3A_223 : i32 to index
        %get3A_225 = arith.index_cast %mul3A_192 : i32 to index
        %get3A_226 = tpu.vector_load %arg6[%get3A_224, %get3A_225] {strides = array<i32>} : memref<16x2048xf32, #tpu.memory_space<vmem>>, vector<16xf32>,
        %sub3A_227 = arith.subf %get3A_226, %broadcast_in_dim3A_34 : vector<16xf32>
        %mul3A_228 = arith.mulf %sub3A_227, %sub3A_227 : vector<16xf32>
        %get3A_229 = arith.constant 6 : i32
        %get3A_230 = arith.index_cast %get3A_229 : i32 to index
        %get3A_231 = arith.index_cast %mul3A_192 : i32 to index
        %get3A_232 = tpu.vector_load %arg6[%get3A_230, %get3A_231] {strides = array<i32>} : memref<16x2048xf32, #tpu.memory_space<vmem>>, vector<16xf32>,
        %sub3A_233 = arith.subf %get3A_232, %broadcast_in_dim3A_37 : vector<16xf32>
        %mul3A_234 = arith.mulf %sub3A_233, %sub3A_233 : vector<16xf32>
        %get3A_235 = arith.constant 7 : i32
        %get3A_236 = arith.index_cast %get3A_235 : i32 to index
        %get3A_237 = arith.index_cast %mul3A_192 : i32 to index
        %get3A_238 = tpu.vector_load %arg6[%get3A_236, %get3A_237] {strides = array<i32>} : memref<16x2048xf32, #tpu.memory_space<vmem>>, vector<16xf32>,
        %sub3A_239 = arith.subf %get3A_238, %broadcast_in_dim3A_40 : vector<16xf32>
        %mul3A_240 = arith.mulf %sub3A_239, %sub3A_239 : vector<16xf32>
        %get3A_241 = arith.constant 8 : i32
        %get3A_242 = arith.index_cast %get3A_241 : i32 to index
        %get3A_243 = arith.index_cast %mul3A_192 : i32 to index
        %get3A_244 = tpu.vector_load %arg6[%get3A_242, %get3A_243] {strides = array<i32>} : memref<16x2048xf32, #tpu.memory_space<vmem>>, vector<16xf32>,
        %sub3A_245 = arith.subf %get3A_244, %broadcast_in_dim3A_43 : vector<16xf32>
        %mul3A_246 = arith.mulf %sub3A_245, %sub3A_245 : vector<16xf32>
        %get3A_247 = arith.constant 9 : i32
        %get3A_248 = arith.index_cast %get3A_247 : i32 to index
        %get3A_249 = arith.index_cast %mul3A_192 : i32 to index
        %get3A_250 = tpu.vector_load %arg6[%get3A_248, %get3A_249] {strides = array<i32>} : memref<16x2048xf32, #tpu.memory_space<vmem>>, vector<16xf32>,
        %sub3A_251 = arith.subf %get3A_250, %broadcast_in_dim3A_46 : vector<16xf32>
        %mul3A_252 = arith.mulf %sub3A_251, %sub3A_251 : vector<16xf32>
        %get3A_253 = arith.constant 10 : i32
        %get3A_254 = arith.index_cast %get3A_253 : i32 to index
        %get3A_255 = arith.index_cast %mul3A_192 : i32 to index
        %get3A_256 = tpu.vector_load %arg6[%get3A_254, %get3A_255] {strides = array<i32>} : memref<16x2048xf32, #tpu.memory_space<vmem>>, vector<16xf32>,
        %sub3A_257 = arith.subf %get3A_256, %broadcast_in_dim3A_49 : vector<16xf32>
        %mul3A_258 = arith.mulf %sub3A_257, %sub3A_257 : vector<16xf32>
        %get3A_259 = arith.constant 11 : i32
        %get3A_260 = arith.index_cast %get3A_259 : i32 to index
        %get3A_261 = arith.index_cast %mul3A_192 : i32 to index
        %get3A_262 = tpu.vector_load %arg6[%get3A_260, %get3A_261] {strides = array<i32>} : memref<16x2048xf32, #tpu.memory_space<vmem>>, vector<16xf32>,
        %sub3A_263 = arith.subf %get3A_262, %broadcast_in_dim3A_52 : vector<16xf32>
        %mul3A_264 = arith.mulf %sub3A_263, %sub3A_263 : vector<16xf32>
        %get3A_265 = arith.constant 12 : i32
        %get3A_266 = arith.index_cast %get3A_265 : i32 to index
        %get3A_267 = arith.index_cast %mul3A_192 : i32 to index
        %get3A_268 = tpu.vector_load %arg6[%get3A_266, %get3A_267] {strides = array<i32>} : memref<16x2048xf32, #tpu.memory_space<vmem>>, vector<16xf32>,
        %sub3A_269 = arith.subf %get3A_268, %broadcast_in_dim3A_55 : vector<16xf32>
        %mul3A_270 = arith.mulf %sub3A_269, %sub3A_269 : vector<16xf32>
        %get3A_271 = arith.constant 13 : i32
        %get3A_272 = arith.index_cast %get3A_271 : i32 to index
        %get3A_273 = arith.index_cast %mul3A_192 : i32 to index
        %get3A_274 = tpu.vector_load %arg6[%get3A_272, %get3A_273] {strides = array<i32>} : memref<16x2048xf32, #tpu.memory_space<vmem>>, vector<16xf32>,
        %sub3A_275 = arith.subf %get3A_274, %broadcast_in_dim3A_58 : vector<16xf32>
        %mul3A_276 = arith.mulf %sub3A_275, %sub3A_275 : vector<16xf32>
        %get3A_277 = arith.constant 14 : i32
        %get3A_278 = arith.index_cast %get3A_277 : i32 to index
        %get3A_279 = arith.index_cast %mul3A_192 : i32 to index
        %get3A_280 = tpu.vector_load %arg6[%get3A_278, %get3A_279] {strides = array<i32>} : memref<16x2048xf32, #tpu.memory_space<vmem>>, vector<16xf32>,
        %sub3A_281 = arith.subf %get3A_280, %broadcast_in_dim3A_61 : vector<16xf32>
        %mul3A_282 = arith.mulf %sub3A_281, %sub3A_281 : vector<16xf32>
        %get3A_283 = arith.constant 15 : i32
        %get3A_284 = arith.index_cast %get3A_283 : i32 to index
        %get3A_285 = arith.index_cast %mul3A_192 : i32 to index
        %get3A_286 = tpu.vector_load %arg6[%get3A_284, %get3A_285] {strides = array<i32>} : memref<16x2048xf32, #tpu.memory_space<vmem>>, vector<16xf32>,
        %sub3A_287 = arith.subf %get3A_286, %broadcast_in_dim3A_64 : vector<16xf32>
        %mul3A_288 = arith.mulf %sub3A_287, %sub3A_287 : vector<16xf32>
        %add3A_289 = arith.addf %mul3A_198, %mul3A_204 : vector<16xf32>
        %add3A_290 = arith.addf %mul3A_210, %mul3A_216 : vector<16xf32>
        %add3A_291 = arith.addf %mul3A_222, %mul3A_228 : vector<16xf32>
        %add3A_292 = arith.addf %mul3A_234, %mul3A_240 : vector<16xf32>
        %add3A_293 = arith.addf %mul3A_246, %mul3A_252 : vector<16xf32>
        %add3A_294 = arith.addf %mul3A_258, %mul3A_264 : vector<16xf32>
        %add3A_295 = arith.addf %mul3A_270, %mul3A_276 : vector<16xf32>
        %add3A_296 = arith.addf %mul3A_282, %mul3A_288 : vector<16xf32>
        %add3A_297 = arith.addf %add3A_289, %add3A_290 : vector<16xf32>
        %add3A_298 = arith.addf %add3A_291, %add3A_292 : vector<16xf32>
        %add3A_299 = arith.addf %add3A_293, %add3A_294 : vector<16xf32>
        %add3A_300 = arith.addf %add3A_295, %add3A_296 : vector<16xf32>
        %add3A_301 = arith.addf %add3A_297, %add3A_298 : vector<16xf32>
        %add3A_302 = arith.addf %add3A_299, %add3A_300 : vector<16xf32>
        %add3A_303 = arith.addf %add3A_301, %add3A_302 : vector<16xf32>
        %lt3A_304 = arith.cmpf olt, %add3A_303, %scan3A_189 : vector<16xf32>
        %min3A_305 = arith.minimumf %add3A_303, %scan3A_189 : vector<16xf32>
        %add3A_306 = vector.broadcast %mul3A_192 : i32 to vector<16xi32>
        %add3A_307 = arith.addi %add3A_138, %add3A_306 : vector<16xi32>
        %select_n3A_308 = arith.select %lt3A_304, %add3A_307, %scan3A_190 : vector<16xi1>, vector<16xi32>
        scf.yield %min3A_305, %select_n3A_308 : vector<16xf32>, vector<16xi32>
      }
      %scan3A_144 = arith.constant 128 : i32
      %add3A_145 = arith.constant 2 : i32
      %add3A_146 = arith.addi %mul3A_117, %add3A_145 : i32
      %lt3A_147 = arith.constant 13 : i32
      %lt3A_148 = arith.cmpi slt, %add3A_146, %lt3A_147 : i32
      %convert_element_type3A_149 = arith.extui %lt3A_148 : i1 to i32
      %cond3A_150 = arith.constant 0 : i32
      %cond3A_151 = arith.cmpi ne, %convert_element_type3A_149, %cond3A_150 : i32
      scf.if %cond3A_151 {
        %add3A_188 = arith.constant 2 : i32
        %add3A_189 = arith.addi %mul3A_117, %add3A_188 : i32
        %mul3A_190 = arith.constant 2048 : i32
        %mul3A_191 = arith.muli %add3A_189, %mul3A_190 : i32
        %add3A_192 = arith.addi %mul3A_12, %mul3A_191 : i32
        %min3A_193 = arith.minsi %add3A_192, %sub3A_16 : i32
        %dma_start3A_194 = arith.constant 0 : i32
        %dma_start3A_195 = tpu.memref_slice %arg3[%dma_start3A_194, %min3A_193] : memref<16x1000000xf32, #tpu.memory_space<hbm>> -> memref<16x2048xf32, #tpu.memory_space<hbm>>
        %dma_start3A_196 = arith.constant 0 : i32
        %dma_start3A_197 = tpu.memref_slice %arg3[%dma_start3A_196, %min3A_193] : memref<16x1000000xf32, #tpu.memory_space<hbm>> -> memref<16x2048xf32, #tpu.memory_space<hbm>>
        tpu.enqueue_dma source(%dma_start3A_197 : memref<16x2048xf32, #tpu.memory_space<hbm>>) target(%arg6 : memref<16x2048xf32, #tpu.memory_space<vmem>>) target_semaphore(%arg11 : memref<!tpu.dma_semaphore, #tpu.memory_space<semaphore_mem>>)
      } else {
      }
      %add3A_152 = arith.constant 1 : i32
      %add3A_153 = arith.addi %mul3A_117, %add3A_152 : i32
      %mul3A_154 = arith.constant 2048 : i32
      %mul3A_155 = arith.muli %add3A_153, %mul3A_154 : i32
      %add3A_156 = arith.addi %mul3A_12, %mul3A_155 : i32
      %min3A_157 = arith.minsi %add3A_156, %sub3A_16 : i32
      %dma_wait3A_158 = arith.constant 0 : i32
      %dma_wait3A_159 = tpu.memref_slice %arg3[%dma_wait3A_158, %min3A_157] : memref<16x1000000xf32, #tpu.memory_space<hbm>> -> memref<16x2048xf32, #tpu.memory_space<hbm>>
      %dma_wait3A_160 = arith.constant 0 : i32
      %dma_wait3A_161 = tpu.memref_slice %arg3[%dma_wait3A_160, %min3A_157] : memref<16x1000000xf32, #tpu.memory_space<hbm>> -> memref<16x2048xf32, #tpu.memory_space<hbm>>
      tpu.wait_dma2 semaphore(%arg12 : memref<!tpu.dma_semaphore, #tpu.memory_space<semaphore_mem>>) src(%dma_wait3A_161 : memref<16x2048xf32, #tpu.memory_space<hbm>>) dst(%arg7 : memref<16x2048xf32, #tpu.memory_space<vmem>>)
      %mul3A_162 = arith.constant 2048 : i32
      %mul3A_163 = arith.muli %add3A_153, %mul3A_162 : i32
      %add3A_164 = arith.addi %mul3A_12, %mul3A_163 : i32
      %min3A_165 = arith.minsi %add3A_164, %sub3A_16 : i32
      %add3A_166 = arith.constant 2048 : i32
      %add3A_167 = arith.addi %min3A_165, %add3A_166 : i32
      %gt3A_168 = arith.constant 1000000 : i32
      %gt3A_169 = arith.cmpi sgt, %add3A_167, %gt3A_168 : i32
      %convert_element_type3A_170 = arith.extui %gt3A_169 : i1 to i32
      %cond3A_171 = arith.constant 0 : i32
      %cond3A_172 = arith.cmpi ne, %convert_element_type3A_170, %cond3A_171 : i32
      scf.if %cond3A_172 {
        %add3A_188 = arith.constant 2048 : i32
        %add3A_189 = arith.addi %min3A_165, %add3A_188 : i32
        %sub3A_190 = arith.constant 1000000 : i32
        %sub3A_191 = arith.subi %add3A_189, %sub3A_190 : i32
        %jit3A_192 = arith.constant 16 : i32
        %div3A = arith.divsi %sub3A_191, %jit3A_192 : i32
        %sign3A = arith.constant 0 : i32
        %sign3A_193 = arith.cmpi sgt, %sub3A_191, %sign3A : i32
        %sign3A_194 = arith.extui %sign3A_193 : i1 to i32
        %sign3A_195 = arith.constant 0 : i32
        %sign3A_196 = arith.cmpi slt, %sub3A_191, %sign3A_195 : i32
        %sign3A_197 = arith.extui %sign3A_196 : i1 to i32
        %sign3A_198 = arith.subi %sign3A_194, %sign3A_197 : i32
        %sign3A_199 = arith.constant 0 : i32
        %sign3A_200 = arith.cmpi sgt, %jit3A_192, %sign3A_199 : i32
        %sign3A_201 = arith.extui %sign3A_200 : i1 to i32
        %sign3A_202 = arith.constant 0 : i32
        %sign3A_203 = arith.cmpi slt, %jit3A_192, %sign3A_202 : i32
        %sign3A_204 = arith.extui %sign3A_203 : i1 to i32
        %sign3A_205 = arith.subi %sign3A_201, %sign3A_204 : i32
        %ne3A = arith.cmpi ne, %sign3A_198, %sign3A_205 : i32
        %rem3A = arith.remsi %sub3A_191, %jit3A_192 : i32
        %ne3A_206 = arith.constant 0 : i32
        %ne3A_207 = arith.cmpi ne, %rem3A, %ne3A_206 : i32
        %and3A = arith.andi %ne3A, %ne3A_207 : i1
        %sub3A_208 = arith.constant 1 : i32
        %sub3A_209 = arith.subi %div3A, %sub3A_208 : i32
        %select_n3A_210 = arith.select %and3A, %sub3A_209, %div3A : i32
        %while3A = arith.constant 0 : i32
        %while3A_211 = arith.constant 0 : i32
        %while3A_212 = arith.subi %select_n3A_210, %while3A : i32
        %while3A_213 = arith.addi %while3A, %while3A_212 : i32
        %while3A_214 = arith.constant 1 : i32
        %while3A_215 = arith.divsi %while3A_212, %while3A_214 : i32
        %while3A_216 = arith.muli %while3A_215, %while3A_214 : i32
        %while3A_217 = arith.addi %while3A, %while3A_216 : i32
        %while3A_218 = arith.constant 1 : i32
        %while3A_219 = scf.for %while3A_222 = %while3A to %while3A_217 step %while3A_218 iter_args(%while3A_223 = %while3A_211) -> (i32)  : i32 {
          %sub3A_224 = arith.constant 1000000 : i32
          %sub3A_225 = arith.subi %sub3A_224, %min3A_165 : i32
          %mul3A_226 = arith.constant 16 : i32
          %mul3A_227 = arith.muli %while3A_222, %mul3A_226 : i32
          %add3A_228 = arith.addi %sub3A_225, %mul3A_227 : i32
          %swap3A_229 = arith.constant 0 : i32
          %swap3A_230 = arith.index_cast %swap3A_229 : i32 to index
          %swap3A_231 = arith.index_cast %add3A_228 : i32 to index
          %swap3A_232 = tpu.vector_load %arg7[%swap3A_230, %swap3A_231] {strides = array<i32>} : memref<16x2048xf32, #tpu.memory_space<vmem>>, vector<16xf32>,
          tpu.vector_store %arg7[%swap3A_230, %swap3A_231], %broadcast_in_dim3A_70 {strides = array<i32>} : memref<16x2048xf32, #tpu.memory_space<vmem>>, vector<16xf32>,
          %sub3A_233 = arith.constant 1000000 : i32
          %sub3A_234 = arith.subi %sub3A_233, %min3A_165 : i32
          %mul3A_235 = arith.constant 16 : i32
          %mul3A_236 = arith.muli %while3A_222, %mul3A_235 : i32
          %add3A_237 = arith.addi %sub3A_234, %mul3A_236 : i32
          %swap3A_238 = arith.constant 1 : i32
          %swap3A_239 = arith.index_cast %swap3A_238 : i32 to index
          %swap3A_240 = arith.index_cast %add3A_237 : i32 to index
          %swap3A_241 = tpu.vector_load %arg7[%swap3A_239, %swap3A_240] {strides = array<i32>} : memref<16x2048xf32, #tpu.memory_space<vmem>>, vector<16xf32>,
          tpu.vector_store %arg7[%swap3A_239, %swap3A_240], %broadcast_in_dim3A_70 {strides = array<i32>} : memref<16x2048xf32, #tpu.memory_space<vmem>>, vector<16xf32>,
          %sub3A_242 = arith.constant 1000000 : i32
          %sub3A_243 = arith.subi %sub3A_242, %min3A_165 : i32
          %mul3A_244 = arith.constant 16 : i32
          %mul3A_245 = arith.muli %while3A_222, %mul3A_244 : i32
          %add3A_246 = arith.addi %sub3A_243, %mul3A_245 : i32
          %swap3A_247 = arith.constant 2 : i32
          %swap3A_248 = arith.index_cast %swap3A_247 : i32 to index
          %swap3A_249 = arith.index_cast %add3A_246 : i32 to index
          %swap3A_250 = tpu.vector_load %arg7[%swap3A_248, %swap3A_249] {strides = array<i32>} : memref<16x2048xf32, #tpu.memory_space<vmem>>, vector<16xf32>,
          tpu.vector_store %arg7[%swap3A_248, %swap3A_249], %broadcast_in_dim3A_70 {strides = array<i32>} : memref<16x2048xf32, #tpu.memory_space<vmem>>, vector<16xf32>,
          %sub3A_251 = arith.constant 1000000 : i32
          %sub3A_252 = arith.subi %sub3A_251, %min3A_165 : i32
          %mul3A_253 = arith.constant 16 : i32
          %mul3A_254 = arith.muli %while3A_222, %mul3A_253 : i32
          %add3A_255 = arith.addi %sub3A_252, %mul3A_254 : i32
          %swap3A_256 = arith.constant 3 : i32
          %swap3A_257 = arith.index_cast %swap3A_256 : i32 to index
          %swap3A_258 = arith.index_cast %add3A_255 : i32 to index
          %swap3A_259 = tpu.vector_load %arg7[%swap3A_257, %swap3A_258] {strides = array<i32>} : memref<16x2048xf32, #tpu.memory_space<vmem>>, vector<16xf32>,
          tpu.vector_store %arg7[%swap3A_257, %swap3A_258], %broadcast_in_dim3A_70 {strides = array<i32>} : memref<16x2048xf32, #tpu.memory_space<vmem>>, vector<16xf32>,
          %sub3A_260 = arith.constant 1000000 : i32
          %sub3A_261 = arith.subi %sub3A_260, %min3A_165 : i32
          %mul3A_262 = arith.constant 16 : i32
          %mul3A_263 = arith.muli %while3A_222, %mul3A_262 : i32
          %add3A_264 = arith.addi %sub3A_261, %mul3A_263 : i32
          %swap3A_265 = arith.constant 4 : i32
          %swap3A_266 = arith.index_cast %swap3A_265 : i32 to index
          %swap3A_267 = arith.index_cast %add3A_264 : i32 to index
          %swap3A_268 = tpu.vector_load %arg7[%swap3A_266, %swap3A_267] {strides = array<i32>} : memref<16x2048xf32, #tpu.memory_space<vmem>>, vector<16xf32>,
          tpu.vector_store %arg7[%swap3A_266, %swap3A_267], %broadcast_in_dim3A_70 {strides = array<i32>} : memref<16x2048xf32, #tpu.memory_space<vmem>>, vector<16xf32>,
          %sub3A_269 = arith.constant 1000000 : i32
          %sub3A_270 = arith.subi %sub3A_269, %min3A_165 : i32
          %mul3A_271 = arith.constant 16 : i32
          %mul3A_272 = arith.muli %while3A_222, %mul3A_271 : i32
          %add3A_273 = arith.addi %sub3A_270, %mul3A_272 : i32
          %swap3A_274 = arith.constant 5 : i32
          %swap3A_275 = arith.index_cast %swap3A_274 : i32 to index
          %swap3A_276 = arith.index_cast %add3A_273 : i32 to index
          %swap3A_277 = tpu.vector_load %arg7[%swap3A_275, %swap3A_276] {strides = array<i32>} : memref<16x2048xf32, #tpu.memory_space<vmem>>, vector<16xf32>,
          tpu.vector_store %arg7[%swap3A_275, %swap3A_276], %broadcast_in_dim3A_70 {strides = array<i32>} : memref<16x2048xf32, #tpu.memory_space<vmem>>, vector<16xf32>,
          %sub3A_278 = arith.constant 1000000 : i32
          %sub3A_279 = arith.subi %sub3A_278, %min3A_165 : i32
          %mul3A_280 = arith.constant 16 : i32
          %mul3A_281 = arith.muli %while3A_222, %mul3A_280 : i32
          %add3A_282 = arith.addi %sub3A_279, %mul3A_281 : i32
          %swap3A_283 = arith.constant 6 : i32
          %swap3A_284 = arith.index_cast %swap3A_283 : i32 to index
          %swap3A_285 = arith.index_cast %add3A_282 : i32 to index
          %swap3A_286 = tpu.vector_load %arg7[%swap3A_284, %swap3A_285] {strides = array<i32>} : memref<16x2048xf32, #tpu.memory_space<vmem>>, vector<16xf32>,
          tpu.vector_store %arg7[%swap3A_284, %swap3A_285], %broadcast_in_dim3A_70 {strides = array<i32>} : memref<16x2048xf32, #tpu.memory_space<vmem>>, vector<16xf32>,
          %sub3A_287 = arith.constant 1000000 : i32
          %sub3A_288 = arith.subi %sub3A_287, %min3A_165 : i32
          %mul3A_289 = arith.constant 16 : i32
          %mul3A_290 = arith.muli %while3A_222, %mul3A_289 : i32
          %add3A_291 = arith.addi %sub3A_288, %mul3A_290 : i32
          %swap3A_292 = arith.constant 7 : i32
          %swap3A_293 = arith.index_cast %swap3A_292 : i32 to index
          %swap3A_294 = arith.index_cast %add3A_291 : i32 to index
          %swap3A_295 = tpu.vector_load %arg7[%swap3A_293, %swap3A_294] {strides = array<i32>} : memref<16x2048xf32, #tpu.memory_space<vmem>>, vector<16xf32>,
          tpu.vector_store %arg7[%swap3A_293, %swap3A_294], %broadcast_in_dim3A_70 {strides = array<i32>} : memref<16x2048xf32, #tpu.memory_space<vmem>>, vector<16xf32>,
          %sub3A_296 = arith.constant 1000000 : i32
          %sub3A_297 = arith.subi %sub3A_296, %min3A_165 : i32
          %mul3A_298 = arith.constant 16 : i32
          %mul3A_299 = arith.muli %while3A_222, %mul3A_298 : i32
          %add3A_300 = arith.addi %sub3A_297, %mul3A_299 : i32
          %swap3A_301 = arith.constant 8 : i32
          %swap3A_302 = arith.index_cast %swap3A_301 : i32 to index
          %swap3A_303 = arith.index_cast %add3A_300 : i32 to index
          %swap3A_304 = tpu.vector_load %arg7[%swap3A_302, %swap3A_303] {strides = array<i32>} : memref<16x2048xf32, #tpu.memory_space<vmem>>, vector<16xf32>,
          tpu.vector_store %arg7[%swap3A_302, %swap3A_303], %broadcast_in_dim3A_70 {strides = array<i32>} : memref<16x2048xf32, #tpu.memory_space<vmem>>, vector<16xf32>,
          %sub3A_305 = arith.constant 1000000 : i32
          %sub3A_306 = arith.subi %sub3A_305, %min3A_165 : i32
          %mul3A_307 = arith.constant 16 : i32
          %mul3A_308 = arith.muli %while3A_222, %mul3A_307 : i32
          %add3A_309 = arith.addi %sub3A_306, %mul3A_308 : i32
          %swap3A_310 = arith.constant 9 : i32
          %swap3A_311 = arith.index_cast %swap3A_310 : i32 to index
          %swap3A_312 = arith.index_cast %add3A_309 : i32 to index
          %swap3A_313 = tpu.vector_load %arg7[%swap3A_311, %swap3A_312] {strides = array<i32>} : memref<16x2048xf32, #tpu.memory_space<vmem>>, vector<16xf32>,
          tpu.vector_store %arg7[%swap3A_311, %swap3A_312], %broadcast_in_dim3A_70 {strides = array<i32>} : memref<16x2048xf32, #tpu.memory_space<vmem>>, vector<16xf32>,
          %sub3A_314 = arith.constant 1000000 : i32
          %sub3A_315 = arith.subi %sub3A_314, %min3A_165 : i32
          %mul3A_316 = arith.constant 16 : i32
          %mul3A_317 = arith.muli %while3A_222, %mul3A_316 : i32
          %add3A_318 = arith.addi %sub3A_315, %mul3A_317 : i32
          %swap3A_319 = arith.constant 10 : i32
          %swap3A_320 = arith.index_cast %swap3A_319 : i32 to index
          %swap3A_321 = arith.index_cast %add3A_318 : i32 to index
          %swap3A_322 = tpu.vector_load %arg7[%swap3A_320, %swap3A_321] {strides = array<i32>} : memref<16x2048xf32, #tpu.memory_space<vmem>>, vector<16xf32>,
          tpu.vector_store %arg7[%swap3A_320, %swap3A_321], %broadcast_in_dim3A_70 {strides = array<i32>} : memref<16x2048xf32, #tpu.memory_space<vmem>>, vector<16xf32>,
          %sub3A_323 = arith.constant 1000000 : i32
          %sub3A_324 = arith.subi %sub3A_323, %min3A_165 : i32
          %mul3A_325 = arith.constant 16 : i32
          %mul3A_326 = arith.muli %while3A_222, %mul3A_325 : i32
          %add3A_327 = arith.addi %sub3A_324, %mul3A_326 : i32
          %swap3A_328 = arith.constant 11 : i32
          %swap3A_329 = arith.index_cast %swap3A_328 : i32 to index
          %swap3A_330 = arith.index_cast %add3A_327 : i32 to index
          %swap3A_331 = tpu.vector_load %arg7[%swap3A_329, %swap3A_330] {strides = array<i32>} : memref<16x2048xf32, #tpu.memory_space<vmem>>, vector<16xf32>,
          tpu.vector_store %arg7[%swap3A_329, %swap3A_330], %broadcast_in_dim3A_70 {strides = array<i32>} : memref<16x2048xf32, #tpu.memory_space<vmem>>, vector<16xf32>,
          %sub3A_332 = arith.constant 1000000 : i32
          %sub3A_333 = arith.subi %sub3A_332, %min3A_165 : i32
          %mul3A_334 = arith.constant 16 : i32
          %mul3A_335 = arith.muli %while3A_222, %mul3A_334 : i32
          %add3A_336 = arith.addi %sub3A_333, %mul3A_335 : i32
          %swap3A_337 = arith.constant 12 : i32
          %swap3A_338 = arith.index_cast %swap3A_337 : i32 to index
          %swap3A_339 = arith.index_cast %add3A_336 : i32 to index
          %swap3A_340 = tpu.vector_load %arg7[%swap3A_338, %swap3A_339] {strides = array<i32>} : memref<16x2048xf32, #tpu.memory_space<vmem>>, vector<16xf32>,
          tpu.vector_store %arg7[%swap3A_338, %swap3A_339], %broadcast_in_dim3A_70 {strides = array<i32>} : memref<16x2048xf32, #tpu.memory_space<vmem>>, vector<16xf32>,
          %sub3A_341 = arith.constant 1000000 : i32
          %sub3A_342 = arith.subi %sub3A_341, %min3A_165 : i32
          %mul3A_343 = arith.constant 16 : i32
          %mul3A_344 = arith.muli %while3A_222, %mul3A_343 : i32
          %add3A_345 = arith.addi %sub3A_342, %mul3A_344 : i32
          %swap3A_346 = arith.constant 13 : i32
          %swap3A_347 = arith.index_cast %swap3A_346 : i32 to index
          %swap3A_348 = arith.index_cast %add3A_345 : i32 to index
          %swap3A_349 = tpu.vector_load %arg7[%swap3A_347, %swap3A_348] {strides = array<i32>} : memref<16x2048xf32, #tpu.memory_space<vmem>>, vector<16xf32>,
          tpu.vector_store %arg7[%swap3A_347, %swap3A_348], %broadcast_in_dim3A_70 {strides = array<i32>} : memref<16x2048xf32, #tpu.memory_space<vmem>>, vector<16xf32>,
          %sub3A_350 = arith.constant 1000000 : i32
          %sub3A_351 = arith.subi %sub3A_350, %min3A_165 : i32
          %mul3A_352 = arith.constant 16 : i32
          %mul3A_353 = arith.muli %while3A_222, %mul3A_352 : i32
          %add3A_354 = arith.addi %sub3A_351, %mul3A_353 : i32
          %swap3A_355 = arith.constant 14 : i32
          %swap3A_356 = arith.index_cast %swap3A_355 : i32 to index
          %swap3A_357 = arith.index_cast %add3A_354 : i32 to index
          %swap3A_358 = tpu.vector_load %arg7[%swap3A_356, %swap3A_357] {strides = array<i32>} : memref<16x2048xf32, #tpu.memory_space<vmem>>, vector<16xf32>,
          tpu.vector_store %arg7[%swap3A_356, %swap3A_357], %broadcast_in_dim3A_70 {strides = array<i32>} : memref<16x2048xf32, #tpu.memory_space<vmem>>, vector<16xf32>,
          %sub3A_359 = arith.constant 1000000 : i32
          %sub3A_360 = arith.subi %sub3A_359, %min3A_165 : i32
          %mul3A_361 = arith.constant 16 : i32
          %mul3A_362 = arith.muli %while3A_222, %mul3A_361 : i32
          %add3A_363 = arith.addi %sub3A_360, %mul3A_362 : i32
          %swap3A_364 = arith.constant 15 : i32
          %swap3A_365 = arith.index_cast %swap3A_364 : i32 to index
          %swap3A_366 = arith.index_cast %add3A_363 : i32 to index
          %swap3A_367 = tpu.vector_load %arg7[%swap3A_365, %swap3A_366] {strides = array<i32>} : memref<16x2048xf32, #tpu.memory_space<vmem>>, vector<16xf32>,
          tpu.vector_store %arg7[%swap3A_365, %swap3A_366], %broadcast_in_dim3A_70 {strides = array<i32>} : memref<16x2048xf32, #tpu.memory_space<vmem>>, vector<16xf32>,
          %while3A_368 = arith.constant 0 : i32
          scf.yield %while3A_368 : i32
        }
        %while3A_220 = arith.constant 1 : i32
        %while3A_221 = scf.for %while3A_222 = %while3A_217 to %while3A_213 step %while3A_220 iter_args(%while3A_223 = %while3A_219) -> (i32)  : i32 {
          %sub3A_224 = arith.constant 1000000 : i32
          %sub3A_225 = arith.subi %sub3A_224, %min3A_165 : i32
          %mul3A_226 = arith.constant 16 : i32
          %mul3A_227 = arith.muli %while3A_222, %mul3A_226 : i32
          %add3A_228 = arith.addi %sub3A_225, %mul3A_227 : i32
          %swap3A_229 = arith.constant 0 : i32
          %swap3A_230 = arith.index_cast %swap3A_229 : i32 to index
          %swap3A_231 = arith.index_cast %add3A_228 : i32 to index
          %swap3A_232 = tpu.vector_load %arg7[%swap3A_230, %swap3A_231] {strides = array<i32>} : memref<16x2048xf32, #tpu.memory_space<vmem>>, vector<16xf32>,
          tpu.vector_store %arg7[%swap3A_230, %swap3A_231], %broadcast_in_dim3A_70 {strides = array<i32>} : memref<16x2048xf32, #tpu.memory_space<vmem>>, vector<16xf32>,
          %sub3A_233 = arith.constant 1000000 : i32
          %sub3A_234 = arith.subi %sub3A_233, %min3A_165 : i32
          %mul3A_235 = arith.constant 16 : i32
          %mul3A_236 = arith.muli %while3A_222, %mul3A_235 : i32
          %add3A_237 = arith.addi %sub3A_234, %mul3A_236 : i32
          %swap3A_238 = arith.constant 1 : i32
          %swap3A_239 = arith.index_cast %swap3A_238 : i32 to index
          %swap3A_240 = arith.index_cast %add3A_237 : i32 to index
          %swap3A_241 = tpu.vector_load %arg7[%swap3A_239, %swap3A_240] {strides = array<i32>} : memref<16x2048xf32, #tpu.memory_space<vmem>>, vector<16xf32>,
          tpu.vector_store %arg7[%swap3A_239, %swap3A_240], %broadcast_in_dim3A_70 {strides = array<i32>} : memref<16x2048xf32, #tpu.memory_space<vmem>>, vector<16xf32>,
          %sub3A_242 = arith.constant 1000000 : i32
          %sub3A_243 = arith.subi %sub3A_242, %min3A_165 : i32
          %mul3A_244 = arith.constant 16 : i32
          %mul3A_245 = arith.muli %while3A_222, %mul3A_244 : i32
          %add3A_246 = arith.addi %sub3A_243, %mul3A_245 : i32
          %swap3A_247 = arith.constant 2 : i32
          %swap3A_248 = arith.index_cast %swap3A_247 : i32 to index
          %swap3A_249 = arith.index_cast %add3A_246 : i32 to index
          %swap3A_250 = tpu.vector_load %arg7[%swap3A_248, %swap3A_249] {strides = array<i32>} : memref<16x2048xf32, #tpu.memory_space<vmem>>, vector<16xf32>,
          tpu.vector_store %arg7[%swap3A_248, %swap3A_249], %broadcast_in_dim3A_70 {strides = array<i32>} : memref<16x2048xf32, #tpu.memory_space<vmem>>, vector<16xf32>,
          %sub3A_251 = arith.constant 1000000 : i32
          %sub3A_252 = arith.subi %sub3A_251, %min3A_165 : i32
          %mul3A_253 = arith.constant 16 : i32
          %mul3A_254 = arith.muli %while3A_222, %mul3A_253 : i32
          %add3A_255 = arith.addi %sub3A_252, %mul3A_254 : i32
          %swap3A_256 = arith.constant 3 : i32
          %swap3A_257 = arith.index_cast %swap3A_256 : i32 to index
          %swap3A_258 = arith.index_cast %add3A_255 : i32 to index
          %swap3A_259 = tpu.vector_load %arg7[%swap3A_257, %swap3A_258] {strides = array<i32>} : memref<16x2048xf32, #tpu.memory_space<vmem>>, vector<16xf32>,
          tpu.vector_store %arg7[%swap3A_257, %swap3A_258], %broadcast_in_dim3A_70 {strides = array<i32>} : memref<16x2048xf32, #tpu.memory_space<vmem>>, vector<16xf32>,
          %sub3A_260 = arith.constant 1000000 : i32
          %sub3A_261 = arith.subi %sub3A_260, %min3A_165 : i32
          %mul3A_262 = arith.constant 16 : i32
          %mul3A_263 = arith.muli %while3A_222, %mul3A_262 : i32
          %add3A_264 = arith.addi %sub3A_261, %mul3A_263 : i32
          %swap3A_265 = arith.constant 4 : i32
          %swap3A_266 = arith.index_cast %swap3A_265 : i32 to index
          %swap3A_267 = arith.index_cast %add3A_264 : i32 to index
          %swap3A_268 = tpu.vector_load %arg7[%swap3A_266, %swap3A_267] {strides = array<i32>} : memref<16x2048xf32, #tpu.memory_space<vmem>>, vector<16xf32>,
          tpu.vector_store %arg7[%swap3A_266, %swap3A_267], %broadcast_in_dim3A_70 {strides = array<i32>} : memref<16x2048xf32, #tpu.memory_space<vmem>>, vector<16xf32>,
          %sub3A_269 = arith.constant 1000000 : i32
          %sub3A_270 = arith.subi %sub3A_269, %min3A_165 : i32
          %mul3A_271 = arith.constant 16 : i32
          %mul3A_272 = arith.muli %while3A_222, %mul3A_271 : i32
          %add3A_273 = arith.addi %sub3A_270, %mul3A_272 : i32
          %swap3A_274 = arith.constant 5 : i32
          %swap3A_275 = arith.index_cast %swap3A_274 : i32 to index
          %swap3A_276 = arith.index_cast %add3A_273 : i32 to index
          %swap3A_277 = tpu.vector_load %arg7[%swap3A_275, %swap3A_276] {strides = array<i32>} : memref<16x2048xf32, #tpu.memory_space<vmem>>, vector<16xf32>,
          tpu.vector_store %arg7[%swap3A_275, %swap3A_276], %broadcast_in_dim3A_70 {strides = array<i32>} : memref<16x2048xf32, #tpu.memory_space<vmem>>, vector<16xf32>,
          %sub3A_278 = arith.constant 1000000 : i32
          %sub3A_279 = arith.subi %sub3A_278, %min3A_165 : i32
          %mul3A_280 = arith.constant 16 : i32
          %mul3A_281 = arith.muli %while3A_222, %mul3A_280 : i32
          %add3A_282 = arith.addi %sub3A_279, %mul3A_281 : i32
          %swap3A_283 = arith.constant 6 : i32
          %swap3A_284 = arith.index_cast %swap3A_283 : i32 to index
          %swap3A_285 = arith.index_cast %add3A_282 : i32 to index
          %swap3A_286 = tpu.vector_load %arg7[%swap3A_284, %swap3A_285] {strides = array<i32>} : memref<16x2048xf32, #tpu.memory_space<vmem>>, vector<16xf32>,
          tpu.vector_store %arg7[%swap3A_284, %swap3A_285], %broadcast_in_dim3A_70 {strides = array<i32>} : memref<16x2048xf32, #tpu.memory_space<vmem>>, vector<16xf32>,
          %sub3A_287 = arith.constant 1000000 : i32
          %sub3A_288 = arith.subi %sub3A_287, %min3A_165 : i32
          %mul3A_289 = arith.constant 16 : i32
          %mul3A_290 = arith.muli %while3A_222, %mul3A_289 : i32
          %add3A_291 = arith.addi %sub3A_288, %mul3A_290 : i32
          %swap3A_292 = arith.constant 7 : i32
          %swap3A_293 = arith.index_cast %swap3A_292 : i32 to index
          %swap3A_294 = arith.index_cast %add3A_291 : i32 to index
          %swap3A_295 = tpu.vector_load %arg7[%swap3A_293, %swap3A_294] {strides = array<i32>} : memref<16x2048xf32, #tpu.memory_space<vmem>>, vector<16xf32>,
          tpu.vector_store %arg7[%swap3A_293, %swap3A_294], %broadcast_in_dim3A_70 {strides = array<i32>} : memref<16x2048xf32, #tpu.memory_space<vmem>>, vector<16xf32>,
          %sub3A_296 = arith.constant 1000000 : i32
          %sub3A_297 = arith.subi %sub3A_296, %min3A_165 : i32
          %mul3A_298 = arith.constant 16 : i32
          %mul3A_299 = arith.muli %while3A_222, %mul3A_298 : i32
          %add3A_300 = arith.addi %sub3A_297, %mul3A_299 : i32
          %swap3A_301 = arith.constant 8 : i32
          %swap3A_302 = arith.index_cast %swap3A_301 : i32 to index
          %swap3A_303 = arith.index_cast %add3A_300 : i32 to index
          %swap3A_304 = tpu.vector_load %arg7[%swap3A_302, %swap3A_303] {strides = array<i32>} : memref<16x2048xf32, #tpu.memory_space<vmem>>, vector<16xf32>,
          tpu.vector_store %arg7[%swap3A_302, %swap3A_303], %broadcast_in_dim3A_70 {strides = array<i32>} : memref<16x2048xf32, #tpu.memory_space<vmem>>, vector<16xf32>,
          %sub3A_305 = arith.constant 1000000 : i32
          %sub3A_306 = arith.subi %sub3A_305, %min3A_165 : i32
          %mul3A_307 = arith.constant 16 : i32
          %mul3A_308 = arith.muli %while3A_222, %mul3A_307 : i32
          %add3A_309 = arith.addi %sub3A_306, %mul3A_308 : i32
          %swap3A_310 = arith.constant 9 : i32
          %swap3A_311 = arith.index_cast %swap3A_310 : i32 to index
          %swap3A_312 = arith.index_cast %add3A_309 : i32 to index
          %swap3A_313 = tpu.vector_load %arg7[%swap3A_311, %swap3A_312] {strides = array<i32>} : memref<16x2048xf32, #tpu.memory_space<vmem>>, vector<16xf32>,
          tpu.vector_store %arg7[%swap3A_311, %swap3A_312], %broadcast_in_dim3A_70 {strides = array<i32>} : memref<16x2048xf32, #tpu.memory_space<vmem>>, vector<16xf32>,
          %sub3A_314 = arith.constant 1000000 : i32
          %sub3A_315 = arith.subi %sub3A_314, %min3A_165 : i32
          %mul3A_316 = arith.constant 16 : i32
          %mul3A_317 = arith.muli %while3A_222, %mul3A_316 : i32
          %add3A_318 = arith.addi %sub3A_315, %mul3A_317 : i32
          %swap3A_319 = arith.constant 10 : i32
          %swap3A_320 = arith.index_cast %swap3A_319 : i32 to index
          %swap3A_321 = arith.index_cast %add3A_318 : i32 to index
          %swap3A_322 = tpu.vector_load %arg7[%swap3A_320, %swap3A_321] {strides = array<i32>} : memref<16x2048xf32, #tpu.memory_space<vmem>>, vector<16xf32>,
          tpu.vector_store %arg7[%swap3A_320, %swap3A_321], %broadcast_in_dim3A_70 {strides = array<i32>} : memref<16x2048xf32, #tpu.memory_space<vmem>>, vector<16xf32>,
          %sub3A_323 = arith.constant 1000000 : i32
          %sub3A_324 = arith.subi %sub3A_323, %min3A_165 : i32
          %mul3A_325 = arith.constant 16 : i32
          %mul3A_326 = arith.muli %while3A_222, %mul3A_325 : i32
          %add3A_327 = arith.addi %sub3A_324, %mul3A_326 : i32
          %swap3A_328 = arith.constant 11 : i32
          %swap3A_329 = arith.index_cast %swap3A_328 : i32 to index
          %swap3A_330 = arith.index_cast %add3A_327 : i32 to index
          %swap3A_331 = tpu.vector_load %arg7[%swap3A_329, %swap3A_330] {strides = array<i32>} : memref<16x2048xf32, #tpu.memory_space<vmem>>, vector<16xf32>,
          tpu.vector_store %arg7[%swap3A_329, %swap3A_330], %broadcast_in_dim3A_70 {strides = array<i32>} : memref<16x2048xf32, #tpu.memory_space<vmem>>, vector<16xf32>,
          %sub3A_332 = arith.constant 1000000 : i32
          %sub3A_333 = arith.subi %sub3A_332, %min3A_165 : i32
          %mul3A_334 = arith.constant 16 : i32
          %mul3A_335 = arith.muli %while3A_222, %mul3A_334 : i32
          %add3A_336 = arith.addi %sub3A_333, %mul3A_335 : i32
          %swap3A_337 = arith.constant 12 : i32
          %swap3A_338 = arith.index_cast %swap3A_337 : i32 to index
          %swap3A_339 = arith.index_cast %add3A_336 : i32 to index
          %swap3A_340 = tpu.vector_load %arg7[%swap3A_338, %swap3A_339] {strides = array<i32>} : memref<16x2048xf32, #tpu.memory_space<vmem>>, vector<16xf32>,
          tpu.vector_store %arg7[%swap3A_338, %swap3A_339], %broadcast_in_dim3A_70 {strides = array<i32>} : memref<16x2048xf32, #tpu.memory_space<vmem>>, vector<16xf32>,
          %sub3A_341 = arith.constant 1000000 : i32
          %sub3A_342 = arith.subi %sub3A_341, %min3A_165 : i32
          %mul3A_343 = arith.constant 16 : i32
          %mul3A_344 = arith.muli %while3A_222, %mul3A_343 : i32
          %add3A_345 = arith.addi %sub3A_342, %mul3A_344 : i32
          %swap3A_346 = arith.constant 13 : i32
          %swap3A_347 = arith.index_cast %swap3A_346 : i32 to index
          %swap3A_348 = arith.index_cast %add3A_345 : i32 to index
          %swap3A_349 = tpu.vector_load %arg7[%swap3A_347, %swap3A_348] {strides = array<i32>} : memref<16x2048xf32, #tpu.memory_space<vmem>>, vector<16xf32>,
          tpu.vector_store %arg7[%swap3A_347, %swap3A_348], %broadcast_in_dim3A_70 {strides = array<i32>} : memref<16x2048xf32, #tpu.memory_space<vmem>>, vector<16xf32>,
          %sub3A_350 = arith.constant 1000000 : i32
          %sub3A_351 = arith.subi %sub3A_350, %min3A_165 : i32
          %mul3A_352 = arith.constant 16 : i32
          %mul3A_353 = arith.muli %while3A_222, %mul3A_352 : i32
          %add3A_354 = arith.addi %sub3A_351, %mul3A_353 : i32
          %swap3A_355 = arith.constant 14 : i32
          %swap3A_356 = arith.index_cast %swap3A_355 : i32 to index
          %swap3A_357 = arith.index_cast %add3A_354 : i32 to index
          %swap3A_358 = tpu.vector_load %arg7[%swap3A_356, %swap3A_357] {strides = array<i32>} : memref<16x2048xf32, #tpu.memory_space<vmem>>, vector<16xf32>,
          tpu.vector_store %arg7[%swap3A_356, %swap3A_357], %broadcast_in_dim3A_70 {strides = array<i32>} : memref<16x2048xf32, #tpu.memory_space<vmem>>, vector<16xf32>,
          %sub3A_359 = arith.constant 1000000 : i32
          %sub3A_360 = arith.subi %sub3A_359, %min3A_165 : i32
          %mul3A_361 = arith.constant 16 : i32
          %mul3A_362 = arith.muli %while3A_222, %mul3A_361 : i32
          %add3A_363 = arith.addi %sub3A_360, %mul3A_362 : i32
          %swap3A_364 = arith.constant 15 : i32
          %swap3A_365 = arith.index_cast %swap3A_364 : i32 to index
          %swap3A_366 = arith.index_cast %add3A_363 : i32 to index
          %swap3A_367 = tpu.vector_load %arg7[%swap3A_365, %swap3A_366] {strides = array<i32>} : memref<16x2048xf32, #tpu.memory_space<vmem>>, vector<16xf32>,
          tpu.vector_store %arg7[%swap3A_365, %swap3A_366], %broadcast_in_dim3A_70 {strides = array<i32>} : memref<16x2048xf32, #tpu.memory_space<vmem>>, vector<16xf32>,
          %while3A_368 = arith.constant 0 : i32
          scf.yield %while3A_368 : i32
        }
      } else {
      }
      %add3A_173 = vector.broadcast %min3A_165 : i32 to vector<16xi32>
      %add3A_174 = arith.addi %add3A_173, %iota3A : vector<16xi32>
      %scan3A_175 = arith.constant 0 : i32
      %scan3A_176 = arith.constant 128 : i32
      %scan3A_177 = arith.addi %scan3A_175, %scan3A_176 : i32
      %scan3A_178 = arith.constant 1 : i32
      %scan3A_179:2 = scf.for %scan3A_188 = %scan3A_175 to %scan3A_177 step %scan3A_178 iter_args(%scan3A_189 = %scan3A_143#0, %scan3A_190 = %scan3A_143#1) -> (vector<16xf32>, vector<16xi32>)  : i32 {
        %mul3A_191 = arith.constant 16 : i32
        %mul3A_192 = arith.muli %scan3A_188, %mul3A_191 : i32
        %get3A_193 = arith.constant 0 : i32
        %get3A_194 = arith.index_cast %get3A_193 : i32 to index
        %get3A_195 = arith.index_cast %mul3A_192 : i32 to index
        %get3A_196 = tpu.vector_load %arg7[%get3A_194, %get3A_195] {strides = array<i32>} : memref<16x2048xf32, #tpu.memory_space<vmem>>, vector<16xf32>,
        %sub3A_197 = arith.subf %get3A_196, %broadcast_in_dim3A : vector<16xf32>
        %mul3A_198 = arith.mulf %sub3A_197, %sub3A_197 : vector<16xf32>
        %get3A_199 = arith.constant 1 : i32
        %get3A_200 = arith.index_cast %get3A_199 : i32 to index
        %get3A_201 = arith.index_cast %mul3A_192 : i32 to index
        %get3A_202 = tpu.vector_load %arg7[%get3A_200, %get3A_201] {strides = array<i32>} : memref<16x2048xf32, #tpu.memory_space<vmem>>, vector<16xf32>,
        %sub3A_203 = arith.subf %get3A_202, %broadcast_in_dim3A_22 : vector<16xf32>
        %mul3A_204 = arith.mulf %sub3A_203, %sub3A_203 : vector<16xf32>
        %get3A_205 = arith.constant 2 : i32
        %get3A_206 = arith.index_cast %get3A_205 : i32 to index
        %get3A_207 = arith.index_cast %mul3A_192 : i32 to index
        %get3A_208 = tpu.vector_load %arg7[%get3A_206, %get3A_207] {strides = array<i32>} : memref<16x2048xf32, #tpu.memory_space<vmem>>, vector<16xf32>,
        %sub3A_209 = arith.subf %get3A_208, %broadcast_in_dim3A_25 : vector<16xf32>
        %mul3A_210 = arith.mulf %sub3A_209, %sub3A_209 : vector<16xf32>
        %get3A_211 = arith.constant 3 : i32
        %get3A_212 = arith.index_cast %get3A_211 : i32 to index
        %get3A_213 = arith.index_cast %mul3A_192 : i32 to index
        %get3A_214 = tpu.vector_load %arg7[%get3A_212, %get3A_213] {strides = array<i32>} : memref<16x2048xf32, #tpu.memory_space<vmem>>, vector<16xf32>,
        %sub3A_215 = arith.subf %get3A_214, %broadcast_in_dim3A_28 : vector<16xf32>
        %mul3A_216 = arith.mulf %sub3A_215, %sub3A_215 : vector<16xf32>
        %get3A_217 = arith.constant 4 : i32
        %get3A_218 = arith.index_cast %get3A_217 : i32 to index
        %get3A_219 = arith.index_cast %mul3A_192 : i32 to index
        %get3A_220 = tpu.vector_load %arg7[%get3A_218, %get3A_219] {strides = array<i32>} : memref<16x2048xf32, #tpu.memory_space<vmem>>, vector<16xf32>,
        %sub3A_221 = arith.subf %get3A_220, %broadcast_in_dim3A_31 : vector<16xf32>
        %mul3A_222 = arith.mulf %sub3A_221, %sub3A_221 : vector<16xf32>
        %get3A_223 = arith.constant 5 : i32
        %get3A_224 = arith.index_cast %get3A_223 : i32 to index
        %get3A_225 = arith.index_cast %mul3A_192 : i32 to index
        %get3A_226 = tpu.vector_load %arg7[%get3A_224, %get3A_225] {strides = array<i32>} : memref<16x2048xf32, #tpu.memory_space<vmem>>, vector<16xf32>,
        %sub3A_227 = arith.subf %get3A_226, %broadcast_in_dim3A_34 : vector<16xf32>
        %mul3A_228 = arith.mulf %sub3A_227, %sub3A_227 : vector<16xf32>
        %get3A_229 = arith.constant 6 : i32
        %get3A_230 = arith.index_cast %get3A_229 : i32 to index
        %get3A_231 = arith.index_cast %mul3A_192 : i32 to index
        %get3A_232 = tpu.vector_load %arg7[%get3A_230, %get3A_231] {strides = array<i32>} : memref<16x2048xf32, #tpu.memory_space<vmem>>, vector<16xf32>,
        %sub3A_233 = arith.subf %get3A_232, %broadcast_in_dim3A_37 : vector<16xf32>
        %mul3A_234 = arith.mulf %sub3A_233, %sub3A_233 : vector<16xf32>
        %get3A_235 = arith.constant 7 : i32
        %get3A_236 = arith.index_cast %get3A_235 : i32 to index
        %get3A_237 = arith.index_cast %mul3A_192 : i32 to index
        %get3A_238 = tpu.vector_load %arg7[%get3A_236, %get3A_237] {strides = array<i32>} : memref<16x2048xf32, #tpu.memory_space<vmem>>, vector<16xf32>,
        %sub3A_239 = arith.subf %get3A_238, %broadcast_in_dim3A_40 : vector<16xf32>
        %mul3A_240 = arith.mulf %sub3A_239, %sub3A_239 : vector<16xf32>
        %get3A_241 = arith.constant 8 : i32
        %get3A_242 = arith.index_cast %get3A_241 : i32 to index
        %get3A_243 = arith.index_cast %mul3A_192 : i32 to index
        %get3A_244 = tpu.vector_load %arg7[%get3A_242, %get3A_243] {strides = array<i32>} : memref<16x2048xf32, #tpu.memory_space<vmem>>, vector<16xf32>,
        %sub3A_245 = arith.subf %get3A_244, %broadcast_in_dim3A_43 : vector<16xf32>
        %mul3A_246 = arith.mulf %sub3A_245, %sub3A_245 : vector<16xf32>
        %get3A_247 = arith.constant 9 : i32
        %get3A_248 = arith.index_cast %get3A_247 : i32 to index
        %get3A_249 = arith.index_cast %mul3A_192 : i32 to index
        %get3A_250 = tpu.vector_load %arg7[%get3A_248, %get3A_249] {strides = array<i32>} : memref<16x2048xf32, #tpu.memory_space<vmem>>, vector<16xf32>,
        %sub3A_251 = arith.subf %get3A_250, %broadcast_in_dim3A_46 : vector<16xf32>
        %mul3A_252 = arith.mulf %sub3A_251, %sub3A_251 : vector<16xf32>
        %get3A_253 = arith.constant 10 : i32
        %get3A_254 = arith.index_cast %get3A_253 : i32 to index
        %get3A_255 = arith.index_cast %mul3A_192 : i32 to index
        %get3A_256 = tpu.vector_load %arg7[%get3A_254, %get3A_255] {strides = array<i32>} : memref<16x2048xf32, #tpu.memory_space<vmem>>, vector<16xf32>,
        %sub3A_257 = arith.subf %get3A_256, %broadcast_in_dim3A_49 : vector<16xf32>
        %mul3A_258 = arith.mulf %sub3A_257, %sub3A_257 : vector<16xf32>
        %get3A_259 = arith.constant 11 : i32
        %get3A_260 = arith.index_cast %get3A_259 : i32 to index
        %get3A_261 = arith.index_cast %mul3A_192 : i32 to index
        %get3A_262 = tpu.vector_load %arg7[%get3A_260, %get3A_261] {strides = array<i32>} : memref<16x2048xf32, #tpu.memory_space<vmem>>, vector<16xf32>,
        %sub3A_263 = arith.subf %get3A_262, %broadcast_in_dim3A_52 : vector<16xf32>
        %mul3A_264 = arith.mulf %sub3A_263, %sub3A_263 : vector<16xf32>
        %get3A_265 = arith.constant 12 : i32
        %get3A_266 = arith.index_cast %get3A_265 : i32 to index
        %get3A_267 = arith.index_cast %mul3A_192 : i32 to index
        %get3A_268 = tpu.vector_load %arg7[%get3A_266, %get3A_267] {strides = array<i32>} : memref<16x2048xf32, #tpu.memory_space<vmem>>, vector<16xf32>,
        %sub3A_269 = arith.subf %get3A_268, %broadcast_in_dim3A_55 : vector<16xf32>
        %mul3A_270 = arith.mulf %sub3A_269, %sub3A_269 : vector<16xf32>
        %get3A_271 = arith.constant 13 : i32
        %get3A_272 = arith.index_cast %get3A_271 : i32 to index
        %get3A_273 = arith.index_cast %mul3A_192 : i32 to index
        %get3A_274 = tpu.vector_load %arg7[%get3A_272, %get3A_273] {strides = array<i32>} : memref<16x2048xf32, #tpu.memory_space<vmem>>, vector<16xf32>,
        %sub3A_275 = arith.subf %get3A_274, %broadcast_in_dim3A_58 : vector<16xf32>
        %mul3A_276 = arith.mulf %sub3A_275, %sub3A_275 : vector<16xf32>
        %get3A_277 = arith.constant 14 : i32
        %get3A_278 = arith.index_cast %get3A_277 : i32 to index
        %get3A_279 = arith.index_cast %mul3A_192 : i32 to index
        %get3A_280 = tpu.vector_load %arg7[%get3A_278, %get3A_279] {strides = array<i32>} : memref<16x2048xf32, #tpu.memory_space<vmem>>, vector<16xf32>,
        %sub3A_281 = arith.subf %get3A_280, %broadcast_in_dim3A_61 : vector<16xf32>
        %mul3A_282 = arith.mulf %sub3A_281, %sub3A_281 : vector<16xf32>
        %get3A_283 = arith.constant 15 : i32
        %get3A_284 = arith.index_cast %get3A_283 : i32 to index
        %get3A_285 = arith.index_cast %mul3A_192 : i32 to index
        %get3A_286 = tpu.vector_load %arg7[%get3A_284, %get3A_285] {strides = array<i32>} : memref<16x2048xf32, #tpu.memory_space<vmem>>, vector<16xf32>,
        %sub3A_287 = arith.subf %get3A_286, %broadcast_in_dim3A_64 : vector<16xf32>
        %mul3A_288 = arith.mulf %sub3A_287, %sub3A_287 : vector<16xf32>
        %add3A_289 = arith.addf %mul3A_198, %mul3A_204 : vector<16xf32>
        %add3A_290 = arith.addf %mul3A_210, %mul3A_216 : vector<16xf32>
        %add3A_291 = arith.addf %mul3A_222, %mul3A_228 : vector<16xf32>
        %add3A_292 = arith.addf %mul3A_234, %mul3A_240 : vector<16xf32>
        %add3A_293 = arith.addf %mul3A_246, %mul3A_252 : vector<16xf32>
        %add3A_294 = arith.addf %mul3A_258, %mul3A_264 : vector<16xf32>
        %add3A_295 = arith.addf %mul3A_270, %mul3A_276 : vector<16xf32>
        %add3A_296 = arith.addf %mul3A_282, %mul3A_288 : vector<16xf32>
        %add3A_297 = arith.addf %add3A_289, %add3A_290 : vector<16xf32>
        %add3A_298 = arith.addf %add3A_291, %add3A_292 : vector<16xf32>
        %add3A_299 = arith.addf %add3A_293, %add3A_294 : vector<16xf32>
        %add3A_300 = arith.addf %add3A_295, %add3A_296 : vector<16xf32>
        %add3A_301 = arith.addf %add3A_297, %add3A_298 : vector<16xf32>
        %add3A_302 = arith.addf %add3A_299, %add3A_300 : vector<16xf32>
        %add3A_303 = arith.addf %add3A_301, %add3A_302 : vector<16xf32>
        %lt3A_304 = arith.cmpf olt, %add3A_303, %scan3A_189 : vector<16xf32>
        %min3A_305 = arith.minimumf %add3A_303, %scan3A_189 : vector<16xf32>
        %add3A_306 = vector.broadcast %mul3A_192 : i32 to vector<16xi32>
        %add3A_307 = arith.addi %add3A_174, %add3A_306 : vector<16xi32>
        %select_n3A_308 = arith.select %lt3A_304, %add3A_307, %scan3A_190 : vector<16xi1>, vector<16xi32>
        scf.yield %min3A_305, %select_n3A_308 : vector<16xf32>, vector<16xi32>
      }
      %scan3A_180 = arith.constant 128 : i32
      %add3A_181 = arith.constant 3 : i32
      %add3A_182 = arith.addi %mul3A_117, %add3A_181 : i32
      %lt3A_183 = arith.constant 13 : i32
      %lt3A_184 = arith.cmpi slt, %add3A_182, %lt3A_183 : i32
      %convert_element_type3A_185 = arith.extui %lt3A_184 : i1 to i32
      %cond3A_186 = arith.constant 0 : i32
      %cond3A_187 = arith.cmpi ne, %convert_element_type3A_185, %cond3A_186 : i32
      scf.if %cond3A_187 {
        %add3A_188 = arith.constant 3 : i32
        %add3A_189 = arith.addi %mul3A_117, %add3A_188 : i32
        %mul3A_190 = arith.constant 2048 : i32
        %mul3A_191 = arith.muli %add3A_189, %mul3A_190 : i32
        %add3A_192 = arith.addi %mul3A_12, %mul3A_191 : i32
        %min3A_193 = arith.minsi %add3A_192, %sub3A_16 : i32
        %dma_start3A_194 = arith.constant 0 : i32
        %dma_start3A_195 = tpu.memref_slice %arg3[%dma_start3A_194, %min3A_193] : memref<16x1000000xf32, #tpu.memory_space<hbm>> -> memref<16x2048xf32, #tpu.memory_space<hbm>>
        %dma_start3A_196 = arith.constant 0 : i32
        %dma_start3A_197 = tpu.memref_slice %arg3[%dma_start3A_196, %min3A_193] : memref<16x1000000xf32, #tpu.memory_space<hbm>> -> memref<16x2048xf32, #tpu.memory_space<hbm>>
        tpu.enqueue_dma source(%dma_start3A_197 : memref<16x2048xf32, #tpu.memory_space<hbm>>) target(%arg7 : memref<16x2048xf32, #tpu.memory_space<vmem>>) target_semaphore(%arg12 : memref<!tpu.dma_semaphore, #tpu.memory_space<semaphore_mem>>)
      } else {
      }
      scf.yield %scan3A_179#0, %scan3A_179#1 : vector<16xf32>, vector<16xi32>
    }
    %scan3A_88 = arith.constant 6 : i32
    %add3A_89 = arith.constant 24576 : i32
    %add3A_90 = arith.addi %mul3A_12, %add3A_89 : i32
    %min3A_91 = arith.minsi %add3A_90, %sub3A_16 : i32
    %dma_wait3A = arith.constant 0 : i32
    %dma_wait3A_92 = tpu.memref_slice %arg3[%dma_wait3A, %min3A_91] : memref<16x1000000xf32, #tpu.memory_space<hbm>> -> memref<16x2048xf32, #tpu.memory_space<hbm>>
    %dma_wait3A_93 = arith.constant 0 : i32
    %dma_wait3A_94 = tpu.memref_slice %arg3[%dma_wait3A_93, %min3A_91] : memref<16x1000000xf32, #tpu.memory_space<hbm>> -> memref<16x2048xf32, #tpu.memory_space<hbm>>
    tpu.wait_dma2 semaphore(%arg11 : memref<!tpu.dma_semaphore, #tpu.memory_space<semaphore_mem>>) src(%dma_wait3A_94 : memref<16x2048xf32, #tpu.memory_space<hbm>>) dst(%arg6 : memref<16x2048xf32, #tpu.memory_space<vmem>>)
    %add3A_95 = arith.constant 24576 : i32
    %add3A_96 = arith.addi %mul3A_12, %add3A_95 : i32
    %min3A_97 = arith.minsi %add3A_96, %sub3A_16 : i32
    %add3A_98 = arith.constant 2048 : i32
    %add3A_99 = arith.addi %min3A_97, %add3A_98 : i32
    %gt3A = arith.constant 1000000 : i32
    %gt3A_100 = arith.cmpi sgt, %add3A_99, %gt3A : i32
    %convert_element_type3A = arith.extui %gt3A_100 : i1 to i32
    %cond3A = arith.constant 0 : i32
    %cond3A_101 = arith.cmpi ne, %convert_element_type3A, %cond3A : i32
    scf.if %cond3A_101 {
      %add3A_113 = arith.constant 2048 : i32
      %add3A_114 = arith.addi %min3A_97, %add3A_113 : i32
      %sub3A_115 = arith.constant 1000000 : i32
      %sub3A_116 = arith.subi %add3A_114, %sub3A_115 : i32
      %jit3A_117 = arith.constant 16 : i32
      %div3A = arith.divsi %sub3A_116, %jit3A_117 : i32
      %sign3A = arith.constant 0 : i32
      %sign3A_118 = arith.cmpi sgt, %sub3A_116, %sign3A : i32
      %sign3A_119 = arith.extui %sign3A_118 : i1 to i32
      %sign3A_120 = arith.constant 0 : i32
      %sign3A_121 = arith.cmpi slt, %sub3A_116, %sign3A_120 : i32
      %sign3A_122 = arith.extui %sign3A_121 : i1 to i32
      %sign3A_123 = arith.subi %sign3A_119, %sign3A_122 : i32
      %sign3A_124 = arith.constant 0 : i32
      %sign3A_125 = arith.cmpi sgt, %jit3A_117, %sign3A_124 : i32
      %sign3A_126 = arith.extui %sign3A_125 : i1 to i32
      %sign3A_127 = arith.constant 0 : i32
      %sign3A_128 = arith.cmpi slt, %jit3A_117, %sign3A_127 : i32
      %sign3A_129 = arith.extui %sign3A_128 : i1 to i32
      %sign3A_130 = arith.subi %sign3A_126, %sign3A_129 : i32
      %ne3A = arith.cmpi ne, %sign3A_123, %sign3A_130 : i32
      %rem3A = arith.remsi %sub3A_116, %jit3A_117 : i32
      %ne3A_131 = arith.constant 0 : i32
      %ne3A_132 = arith.cmpi ne, %rem3A, %ne3A_131 : i32
      %and3A = arith.andi %ne3A, %ne3A_132 : i1
      %sub3A_133 = arith.constant 1 : i32
      %sub3A_134 = arith.subi %div3A, %sub3A_133 : i32
      %select_n3A_135 = arith.select %and3A, %sub3A_134, %div3A : i32
      %while3A = arith.constant 0 : i32
      %while3A_136 = arith.constant 0 : i32
      %while3A_137 = arith.subi %select_n3A_135, %while3A : i32
      %while3A_138 = arith.addi %while3A, %while3A_137 : i32
      %while3A_139 = arith.constant 1 : i32
      %while3A_140 = arith.divsi %while3A_137, %while3A_139 : i32
      %while3A_141 = arith.muli %while3A_140, %while3A_139 : i32
      %while3A_142 = arith.addi %while3A, %while3A_141 : i32
      %while3A_143 = arith.constant 1 : i32
      %while3A_144 = scf.for %while3A_147 = %while3A to %while3A_142 step %while3A_143 iter_args(%while3A_148 = %while3A_136) -> (i32)  : i32 {
        %sub3A_149 = arith.constant 1000000 : i32
        %sub3A_150 = arith.subi %sub3A_149, %min3A_97 : i32
        %mul3A_151 = arith.constant 16 : i32
        %mul3A_152 = arith.muli %while3A_147, %mul3A_151 : i32
        %add3A_153 = arith.addi %sub3A_150, %mul3A_152 : i32
        %swap3A_154 = arith.constant 0 : i32
        %swap3A_155 = arith.index_cast %swap3A_154 : i32 to index
        %swap3A_156 = arith.index_cast %add3A_153 : i32 to index
        %swap3A_157 = tpu.vector_load %arg6[%swap3A_155, %swap3A_156] {strides = array<i32>} : memref<16x2048xf32, #tpu.memory_space<vmem>>, vector<16xf32>,
        tpu.vector_store %arg6[%swap3A_155, %swap3A_156], %broadcast_in_dim3A_70 {strides = array<i32>} : memref<16x2048xf32, #tpu.memory_space<vmem>>, vector<16xf32>,
        %sub3A_158 = arith.constant 1000000 : i32
        %sub3A_159 = arith.subi %sub3A_158, %min3A_97 : i32
        %mul3A_160 = arith.constant 16 : i32
        %mul3A_161 = arith.muli %while3A_147, %mul3A_160 : i32
        %add3A_162 = arith.addi %sub3A_159, %mul3A_161 : i32
        %swap3A_163 = arith.constant 1 : i32
        %swap3A_164 = arith.index_cast %swap3A_163 : i32 to index
        %swap3A_165 = arith.index_cast %add3A_162 : i32 to index
        %swap3A_166 = tpu.vector_load %arg6[%swap3A_164, %swap3A_165] {strides = array<i32>} : memref<16x2048xf32, #tpu.memory_space<vmem>>, vector<16xf32>,
        tpu.vector_store %arg6[%swap3A_164, %swap3A_165], %broadcast_in_dim3A_70 {strides = array<i32>} : memref<16x2048xf32, #tpu.memory_space<vmem>>, vector<16xf32>,
        %sub3A_167 = arith.constant 1000000 : i32
        %sub3A_168 = arith.subi %sub3A_167, %min3A_97 : i32
        %mul3A_169 = arith.constant 16 : i32
        %mul3A_170 = arith.muli %while3A_147, %mul3A_169 : i32
        %add3A_171 = arith.addi %sub3A_168, %mul3A_170 : i32
        %swap3A_172 = arith.constant 2 : i32
        %swap3A_173 = arith.index_cast %swap3A_172 : i32 to index
        %swap3A_174 = arith.index_cast %add3A_171 : i32 to index
        %swap3A_175 = tpu.vector_load %arg6[%swap3A_173, %swap3A_174] {strides = array<i32>} : memref<16x2048xf32, #tpu.memory_space<vmem>>, vector<16xf32>,
        tpu.vector_store %arg6[%swap3A_173, %swap3A_174], %broadcast_in_dim3A_70 {strides = array<i32>} : memref<16x2048xf32, #tpu.memory_space<vmem>>, vector<16xf32>,
        %sub3A_176 = arith.constant 1000000 : i32
        %sub3A_177 = arith.subi %sub3A_176, %min3A_97 : i32
        %mul3A_178 = arith.constant 16 : i32
        %mul3A_179 = arith.muli %while3A_147, %mul3A_178 : i32
        %add3A_180 = arith.addi %sub3A_177, %mul3A_179 : i32
        %swap3A_181 = arith.constant 3 : i32
        %swap3A_182 = arith.index_cast %swap3A_181 : i32 to index
        %swap3A_183 = arith.index_cast %add3A_180 : i32 to index
        %swap3A_184 = tpu.vector_load %arg6[%swap3A_182, %swap3A_183] {strides = array<i32>} : memref<16x2048xf32, #tpu.memory_space<vmem>>, vector<16xf32>,
        tpu.vector_store %arg6[%swap3A_182, %swap3A_183], %broadcast_in_dim3A_70 {strides = array<i32>} : memref<16x2048xf32, #tpu.memory_space<vmem>>, vector<16xf32>,
        %sub3A_185 = arith.constant 1000000 : i32
        %sub3A_186 = arith.subi %sub3A_185, %min3A_97 : i32
        %mul3A_187 = arith.constant 16 : i32
        %mul3A_188 = arith.muli %while3A_147, %mul3A_187 : i32
        %add3A_189 = arith.addi %sub3A_186, %mul3A_188 : i32
        %swap3A_190 = arith.constant 4 : i32
        %swap3A_191 = arith.index_cast %swap3A_190 : i32 to index
        %swap3A_192 = arith.index_cast %add3A_189 : i32 to index
        %swap3A_193 = tpu.vector_load %arg6[%swap3A_191, %swap3A_192] {strides = array<i32>} : memref<16x2048xf32, #tpu.memory_space<vmem>>, vector<16xf32>,
        tpu.vector_store %arg6[%swap3A_191, %swap3A_192], %broadcast_in_dim3A_70 {strides = array<i32>} : memref<16x2048xf32, #tpu.memory_space<vmem>>, vector<16xf32>,
        %sub3A_194 = arith.constant 1000000 : i32
        %sub3A_195 = arith.subi %sub3A_194, %min3A_97 : i32
        %mul3A_196 = arith.constant 16 : i32
        %mul3A_197 = arith.muli %while3A_147, %mul3A_196 : i32
        %add3A_198 = arith.addi %sub3A_195, %mul3A_197 : i32
        %swap3A_199 = arith.constant 5 : i32
        %swap3A_200 = arith.index_cast %swap3A_199 : i32 to index
        %swap3A_201 = arith.index_cast %add3A_198 : i32 to index
        %swap3A_202 = tpu.vector_load %arg6[%swap3A_200, %swap3A_201] {strides = array<i32>} : memref<16x2048xf32, #tpu.memory_space<vmem>>, vector<16xf32>,
        tpu.vector_store %arg6[%swap3A_200, %swap3A_201], %broadcast_in_dim3A_70 {strides = array<i32>} : memref<16x2048xf32, #tpu.memory_space<vmem>>, vector<16xf32>,
        %sub3A_203 = arith.constant 1000000 : i32
        %sub3A_204 = arith.subi %sub3A_203, %min3A_97 : i32
        %mul3A_205 = arith.constant 16 : i32
        %mul3A_206 = arith.muli %while3A_147, %mul3A_205 : i32
        %add3A_207 = arith.addi %sub3A_204, %mul3A_206 : i32
        %swap3A_208 = arith.constant 6 : i32
        %swap3A_209 = arith.index_cast %swap3A_208 : i32 to index
        %swap3A_210 = arith.index_cast %add3A_207 : i32 to index
        %swap3A_211 = tpu.vector_load %arg6[%swap3A_209, %swap3A_210] {strides = array<i32>} : memref<16x2048xf32, #tpu.memory_space<vmem>>, vector<16xf32>,
        tpu.vector_store %arg6[%swap3A_209, %swap3A_210], %broadcast_in_dim3A_70 {strides = array<i32>} : memref<16x2048xf32, #tpu.memory_space<vmem>>, vector<16xf32>,
        %sub3A_212 = arith.constant 1000000 : i32
        %sub3A_213 = arith.subi %sub3A_212, %min3A_97 : i32
        %mul3A_214 = arith.constant 16 : i32
        %mul3A_215 = arith.muli %while3A_147, %mul3A_214 : i32
        %add3A_216 = arith.addi %sub3A_213, %mul3A_215 : i32
        %swap3A_217 = arith.constant 7 : i32
        %swap3A_218 = arith.index_cast %swap3A_217 : i32 to index
        %swap3A_219 = arith.index_cast %add3A_216 : i32 to index
        %swap3A_220 = tpu.vector_load %arg6[%swap3A_218, %swap3A_219] {strides = array<i32>} : memref<16x2048xf32, #tpu.memory_space<vmem>>, vector<16xf32>,
        tpu.vector_store %arg6[%swap3A_218, %swap3A_219], %broadcast_in_dim3A_70 {strides = array<i32>} : memref<16x2048xf32, #tpu.memory_space<vmem>>, vector<16xf32>,
        %sub3A_221 = arith.constant 1000000 : i32
        %sub3A_222 = arith.subi %sub3A_221, %min3A_97 : i32
        %mul3A_223 = arith.constant 16 : i32
        %mul3A_224 = arith.muli %while3A_147, %mul3A_223 : i32
        %add3A_225 = arith.addi %sub3A_222, %mul3A_224 : i32
        %swap3A_226 = arith.constant 8 : i32
        %swap3A_227 = arith.index_cast %swap3A_226 : i32 to index
        %swap3A_228 = arith.index_cast %add3A_225 : i32 to index
        %swap3A_229 = tpu.vector_load %arg6[%swap3A_227, %swap3A_228] {strides = array<i32>} : memref<16x2048xf32, #tpu.memory_space<vmem>>, vector<16xf32>,
        tpu.vector_store %arg6[%swap3A_227, %swap3A_228], %broadcast_in_dim3A_70 {strides = array<i32>} : memref<16x2048xf32, #tpu.memory_space<vmem>>, vector<16xf32>,
        %sub3A_230 = arith.constant 1000000 : i32
        %sub3A_231 = arith.subi %sub3A_230, %min3A_97 : i32
        %mul3A_232 = arith.constant 16 : i32
        %mul3A_233 = arith.muli %while3A_147, %mul3A_232 : i32
        %add3A_234 = arith.addi %sub3A_231, %mul3A_233 : i32
        %swap3A_235 = arith.constant 9 : i32
        %swap3A_236 = arith.index_cast %swap3A_235 : i32 to index
        %swap3A_237 = arith.index_cast %add3A_234 : i32 to index
        %swap3A_238 = tpu.vector_load %arg6[%swap3A_236, %swap3A_237] {strides = array<i32>} : memref<16x2048xf32, #tpu.memory_space<vmem>>, vector<16xf32>,
        tpu.vector_store %arg6[%swap3A_236, %swap3A_237], %broadcast_in_dim3A_70 {strides = array<i32>} : memref<16x2048xf32, #tpu.memory_space<vmem>>, vector<16xf32>,
        %sub3A_239 = arith.constant 1000000 : i32
        %sub3A_240 = arith.subi %sub3A_239, %min3A_97 : i32
        %mul3A_241 = arith.constant 16 : i32
        %mul3A_242 = arith.muli %while3A_147, %mul3A_241 : i32
        %add3A_243 = arith.addi %sub3A_240, %mul3A_242 : i32
        %swap3A_244 = arith.constant 10 : i32
        %swap3A_245 = arith.index_cast %swap3A_244 : i32 to index
        %swap3A_246 = arith.index_cast %add3A_243 : i32 to index
        %swap3A_247 = tpu.vector_load %arg6[%swap3A_245, %swap3A_246] {strides = array<i32>} : memref<16x2048xf32, #tpu.memory_space<vmem>>, vector<16xf32>,
        tpu.vector_store %arg6[%swap3A_245, %swap3A_246], %broadcast_in_dim3A_70 {strides = array<i32>} : memref<16x2048xf32, #tpu.memory_space<vmem>>, vector<16xf32>,
        %sub3A_248 = arith.constant 1000000 : i32
        %sub3A_249 = arith.subi %sub3A_248, %min3A_97 : i32
        %mul3A_250 = arith.constant 16 : i32
        %mul3A_251 = arith.muli %while3A_147, %mul3A_250 : i32
        %add3A_252 = arith.addi %sub3A_249, %mul3A_251 : i32
        %swap3A_253 = arith.constant 11 : i32
        %swap3A_254 = arith.index_cast %swap3A_253 : i32 to index
        %swap3A_255 = arith.index_cast %add3A_252 : i32 to index
        %swap3A_256 = tpu.vector_load %arg6[%swap3A_254, %swap3A_255] {strides = array<i32>} : memref<16x2048xf32, #tpu.memory_space<vmem>>, vector<16xf32>,
        tpu.vector_store %arg6[%swap3A_254, %swap3A_255], %broadcast_in_dim3A_70 {strides = array<i32>} : memref<16x2048xf32, #tpu.memory_space<vmem>>, vector<16xf32>,
        %sub3A_257 = arith.constant 1000000 : i32
        %sub3A_258 = arith.subi %sub3A_257, %min3A_97 : i32
        %mul3A_259 = arith.constant 16 : i32
        %mul3A_260 = arith.muli %while3A_147, %mul3A_259 : i32
        %add3A_261 = arith.addi %sub3A_258, %mul3A_260 : i32
        %swap3A_262 = arith.constant 12 : i32
        %swap3A_263 = arith.index_cast %swap3A_262 : i32 to index
        %swap3A_264 = arith.index_cast %add3A_261 : i32 to index
        %swap3A_265 = tpu.vector_load %arg6[%swap3A_263, %swap3A_264] {strides = array<i32>} : memref<16x2048xf32, #tpu.memory_space<vmem>>, vector<16xf32>,
        tpu.vector_store %arg6[%swap3A_263, %swap3A_264], %broadcast_in_dim3A_70 {strides = array<i32>} : memref<16x2048xf32, #tpu.memory_space<vmem>>, vector<16xf32>,
        %sub3A_266 = arith.constant 1000000 : i32
        %sub3A_267 = arith.subi %sub3A_266, %min3A_97 : i32
        %mul3A_268 = arith.constant 16 : i32
        %mul3A_269 = arith.muli %while3A_147, %mul3A_268 : i32
        %add3A_270 = arith.addi %sub3A_267, %mul3A_269 : i32
        %swap3A_271 = arith.constant 13 : i32
        %swap3A_272 = arith.index_cast %swap3A_271 : i32 to index
        %swap3A_273 = arith.index_cast %add3A_270 : i32 to index
        %swap3A_274 = tpu.vector_load %arg6[%swap3A_272, %swap3A_273] {strides = array<i32>} : memref<16x2048xf32, #tpu.memory_space<vmem>>, vector<16xf32>,
        tpu.vector_store %arg6[%swap3A_272, %swap3A_273], %broadcast_in_dim3A_70 {strides = array<i32>} : memref<16x2048xf32, #tpu.memory_space<vmem>>, vector<16xf32>,
        %sub3A_275 = arith.constant 1000000 : i32
        %sub3A_276 = arith.subi %sub3A_275, %min3A_97 : i32
        %mul3A_277 = arith.constant 16 : i32
        %mul3A_278 = arith.muli %while3A_147, %mul3A_277 : i32
        %add3A_279 = arith.addi %sub3A_276, %mul3A_278 : i32
        %swap3A_280 = arith.constant 14 : i32
        %swap3A_281 = arith.index_cast %swap3A_280 : i32 to index
        %swap3A_282 = arith.index_cast %add3A_279 : i32 to index
        %swap3A_283 = tpu.vector_load %arg6[%swap3A_281, %swap3A_282] {strides = array<i32>} : memref<16x2048xf32, #tpu.memory_space<vmem>>, vector<16xf32>,
        tpu.vector_store %arg6[%swap3A_281, %swap3A_282], %broadcast_in_dim3A_70 {strides = array<i32>} : memref<16x2048xf32, #tpu.memory_space<vmem>>, vector<16xf32>,
        %sub3A_284 = arith.constant 1000000 : i32
        %sub3A_285 = arith.subi %sub3A_284, %min3A_97 : i32
        %mul3A_286 = arith.constant 16 : i32
        %mul3A_287 = arith.muli %while3A_147, %mul3A_286 : i32
        %add3A_288 = arith.addi %sub3A_285, %mul3A_287 : i32
        %swap3A_289 = arith.constant 15 : i32
        %swap3A_290 = arith.index_cast %swap3A_289 : i32 to index
        %swap3A_291 = arith.index_cast %add3A_288 : i32 to index
        %swap3A_292 = tpu.vector_load %arg6[%swap3A_290, %swap3A_291] {strides = array<i32>} : memref<16x2048xf32, #tpu.memory_space<vmem>>, vector<16xf32>,
        tpu.vector_store %arg6[%swap3A_290, %swap3A_291], %broadcast_in_dim3A_70 {strides = array<i32>} : memref<16x2048xf32, #tpu.memory_space<vmem>>, vector<16xf32>,
        %while3A_293 = arith.constant 0 : i32
        scf.yield %while3A_293 : i32
      }
      %while3A_145 = arith.constant 1 : i32
      %while3A_146 = scf.for %while3A_147 = %while3A_142 to %while3A_138 step %while3A_145 iter_args(%while3A_148 = %while3A_144) -> (i32)  : i32 {
        %sub3A_149 = arith.constant 1000000 : i32
        %sub3A_150 = arith.subi %sub3A_149, %min3A_97 : i32
        %mul3A_151 = arith.constant 16 : i32
        %mul3A_152 = arith.muli %while3A_147, %mul3A_151 : i32
        %add3A_153 = arith.addi %sub3A_150, %mul3A_152 : i32
        %swap3A_154 = arith.constant 0 : i32
        %swap3A_155 = arith.index_cast %swap3A_154 : i32 to index
        %swap3A_156 = arith.index_cast %add3A_153 : i32 to index
        %swap3A_157 = tpu.vector_load %arg6[%swap3A_155, %swap3A_156] {strides = array<i32>} : memref<16x2048xf32, #tpu.memory_space<vmem>>, vector<16xf32>,
        tpu.vector_store %arg6[%swap3A_155, %swap3A_156], %broadcast_in_dim3A_70 {strides = array<i32>} : memref<16x2048xf32, #tpu.memory_space<vmem>>, vector<16xf32>,
        %sub3A_158 = arith.constant 1000000 : i32
        %sub3A_159 = arith.subi %sub3A_158, %min3A_97 : i32
        %mul3A_160 = arith.constant 16 : i32
        %mul3A_161 = arith.muli %while3A_147, %mul3A_160 : i32
        %add3A_162 = arith.addi %sub3A_159, %mul3A_161 : i32
        %swap3A_163 = arith.constant 1 : i32
        %swap3A_164 = arith.index_cast %swap3A_163 : i32 to index
        %swap3A_165 = arith.index_cast %add3A_162 : i32 to index
        %swap3A_166 = tpu.vector_load %arg6[%swap3A_164, %swap3A_165] {strides = array<i32>} : memref<16x2048xf32, #tpu.memory_space<vmem>>, vector<16xf32>,
        tpu.vector_store %arg6[%swap3A_164, %swap3A_165], %broadcast_in_dim3A_70 {strides = array<i32>} : memref<16x2048xf32, #tpu.memory_space<vmem>>, vector<16xf32>,
        %sub3A_167 = arith.constant 1000000 : i32
        %sub3A_168 = arith.subi %sub3A_167, %min3A_97 : i32
        %mul3A_169 = arith.constant 16 : i32
        %mul3A_170 = arith.muli %while3A_147, %mul3A_169 : i32
        %add3A_171 = arith.addi %sub3A_168, %mul3A_170 : i32
        %swap3A_172 = arith.constant 2 : i32
        %swap3A_173 = arith.index_cast %swap3A_172 : i32 to index
        %swap3A_174 = arith.index_cast %add3A_171 : i32 to index
        %swap3A_175 = tpu.vector_load %arg6[%swap3A_173, %swap3A_174] {strides = array<i32>} : memref<16x2048xf32, #tpu.memory_space<vmem>>, vector<16xf32>,
        tpu.vector_store %arg6[%swap3A_173, %swap3A_174], %broadcast_in_dim3A_70 {strides = array<i32>} : memref<16x2048xf32, #tpu.memory_space<vmem>>, vector<16xf32>,
        %sub3A_176 = arith.constant 1000000 : i32
        %sub3A_177 = arith.subi %sub3A_176, %min3A_97 : i32
        %mul3A_178 = arith.constant 16 : i32
        %mul3A_179 = arith.muli %while3A_147, %mul3A_178 : i32
        %add3A_180 = arith.addi %sub3A_177, %mul3A_179 : i32
        %swap3A_181 = arith.constant 3 : i32
        %swap3A_182 = arith.index_cast %swap3A_181 : i32 to index
        %swap3A_183 = arith.index_cast %add3A_180 : i32 to index
        %swap3A_184 = tpu.vector_load %arg6[%swap3A_182, %swap3A_183] {strides = array<i32>} : memref<16x2048xf32, #tpu.memory_space<vmem>>, vector<16xf32>,
        tpu.vector_store %arg6[%swap3A_182, %swap3A_183], %broadcast_in_dim3A_70 {strides = array<i32>} : memref<16x2048xf32, #tpu.memory_space<vmem>>, vector<16xf32>,
        %sub3A_185 = arith.constant 1000000 : i32
        %sub3A_186 = arith.subi %sub3A_185, %min3A_97 : i32
        %mul3A_187 = arith.constant 16 : i32
        %mul3A_188 = arith.muli %while3A_147, %mul3A_187 : i32
        %add3A_189 = arith.addi %sub3A_186, %mul3A_188 : i32
        %swap3A_190 = arith.constant 4 : i32
        %swap3A_191 = arith.index_cast %swap3A_190 : i32 to index
        %swap3A_192 = arith.index_cast %add3A_189 : i32 to index
        %swap3A_193 = tpu.vector_load %arg6[%swap3A_191, %swap3A_192] {strides = array<i32>} : memref<16x2048xf32, #tpu.memory_space<vmem>>, vector<16xf32>,
        tpu.vector_store %arg6[%swap3A_191, %swap3A_192], %broadcast_in_dim3A_70 {strides = array<i32>} : memref<16x2048xf32, #tpu.memory_space<vmem>>, vector<16xf32>,
        %sub3A_194 = arith.constant 1000000 : i32
        %sub3A_195 = arith.subi %sub3A_194, %min3A_97 : i32
        %mul3A_196 = arith.constant 16 : i32
        %mul3A_197 = arith.muli %while3A_147, %mul3A_196 : i32
        %add3A_198 = arith.addi %sub3A_195, %mul3A_197 : i32
        %swap3A_199 = arith.constant 5 : i32
        %swap3A_200 = arith.index_cast %swap3A_199 : i32 to index
        %swap3A_201 = arith.index_cast %add3A_198 : i32 to index
        %swap3A_202 = tpu.vector_load %arg6[%swap3A_200, %swap3A_201] {strides = array<i32>} : memref<16x2048xf32, #tpu.memory_space<vmem>>, vector<16xf32>,
        tpu.vector_store %arg6[%swap3A_200, %swap3A_201], %broadcast_in_dim3A_70 {strides = array<i32>} : memref<16x2048xf32, #tpu.memory_space<vmem>>, vector<16xf32>,
        %sub3A_203 = arith.constant 1000000 : i32
        %sub3A_204 = arith.subi %sub3A_203, %min3A_97 : i32
        %mul3A_205 = arith.constant 16 : i32
        %mul3A_206 = arith.muli %while3A_147, %mul3A_205 : i32
        %add3A_207 = arith.addi %sub3A_204, %mul3A_206 : i32
        %swap3A_208 = arith.constant 6 : i32
        %swap3A_209 = arith.index_cast %swap3A_208 : i32 to index
        %swap3A_210 = arith.index_cast %add3A_207 : i32 to index
        %swap3A_211 = tpu.vector_load %arg6[%swap3A_209, %swap3A_210] {strides = array<i32>} : memref<16x2048xf32, #tpu.memory_space<vmem>>, vector<16xf32>,
        tpu.vector_store %arg6[%swap3A_209, %swap3A_210], %broadcast_in_dim3A_70 {strides = array<i32>} : memref<16x2048xf32, #tpu.memory_space<vmem>>, vector<16xf32>,
        %sub3A_212 = arith.constant 1000000 : i32
        %sub3A_213 = arith.subi %sub3A_212, %min3A_97 : i32
        %mul3A_214 = arith.constant 16 : i32
        %mul3A_215 = arith.muli %while3A_147, %mul3A_214 : i32
        %add3A_216 = arith.addi %sub3A_213, %mul3A_215 : i32
        %swap3A_217 = arith.constant 7 : i32
        %swap3A_218 = arith.index_cast %swap3A_217 : i32 to index
        %swap3A_219 = arith.index_cast %add3A_216 : i32 to index
        %swap3A_220 = tpu.vector_load %arg6[%swap3A_218, %swap3A_219] {strides = array<i32>} : memref<16x2048xf32, #tpu.memory_space<vmem>>, vector<16xf32>,
        tpu.vector_store %arg6[%swap3A_218, %swap3A_219], %broadcast_in_dim3A_70 {strides = array<i32>} : memref<16x2048xf32, #tpu.memory_space<vmem>>, vector<16xf32>,
        %sub3A_221 = arith.constant 1000000 : i32
        %sub3A_222 = arith.subi %sub3A_221, %min3A_97 : i32
        %mul3A_223 = arith.constant 16 : i32
        %mul3A_224 = arith.muli %while3A_147, %mul3A_223 : i32
        %add3A_225 = arith.addi %sub3A_222, %mul3A_224 : i32
        %swap3A_226 = arith.constant 8 : i32
        %swap3A_227 = arith.index_cast %swap3A_226 : i32 to index
        %swap3A_228 = arith.index_cast %add3A_225 : i32 to index
        %swap3A_229 = tpu.vector_load %arg6[%swap3A_227, %swap3A_228] {strides = array<i32>} : memref<16x2048xf32, #tpu.memory_space<vmem>>, vector<16xf32>,
        tpu.vector_store %arg6[%swap3A_227, %swap3A_228], %broadcast_in_dim3A_70 {strides = array<i32>} : memref<16x2048xf32, #tpu.memory_space<vmem>>, vector<16xf32>,
        %sub3A_230 = arith.constant 1000000 : i32
        %sub3A_231 = arith.subi %sub3A_230, %min3A_97 : i32
        %mul3A_232 = arith.constant 16 : i32
        %mul3A_233 = arith.muli %while3A_147, %mul3A_232 : i32
        %add3A_234 = arith.addi %sub3A_231, %mul3A_233 : i32
        %swap3A_235 = arith.constant 9 : i32
        %swap3A_236 = arith.index_cast %swap3A_235 : i32 to index
        %swap3A_237 = arith.index_cast %add3A_234 : i32 to index
        %swap3A_238 = tpu.vector_load %arg6[%swap3A_236, %swap3A_237] {strides = array<i32>} : memref<16x2048xf32, #tpu.memory_space<vmem>>, vector<16xf32>,
        tpu.vector_store %arg6[%swap3A_236, %swap3A_237], %broadcast_in_dim3A_70 {strides = array<i32>} : memref<16x2048xf32, #tpu.memory_space<vmem>>, vector<16xf32>,
        %sub3A_239 = arith.constant 1000000 : i32
        %sub3A_240 = arith.subi %sub3A_239, %min3A_97 : i32
        %mul3A_241 = arith.constant 16 : i32
        %mul3A_242 = arith.muli %while3A_147, %mul3A_241 : i32
        %add3A_243 = arith.addi %sub3A_240, %mul3A_242 : i32
        %swap3A_244 = arith.constant 10 : i32
        %swap3A_245 = arith.index_cast %swap3A_244 : i32 to index
        %swap3A_246 = arith.index_cast %add3A_243 : i32 to index
        %swap3A_247 = tpu.vector_load %arg6[%swap3A_245, %swap3A_246] {strides = array<i32>} : memref<16x2048xf32, #tpu.memory_space<vmem>>, vector<16xf32>,
        tpu.vector_store %arg6[%swap3A_245, %swap3A_246], %broadcast_in_dim3A_70 {strides = array<i32>} : memref<16x2048xf32, #tpu.memory_space<vmem>>, vector<16xf32>,
        %sub3A_248 = arith.constant 1000000 : i32
        %sub3A_249 = arith.subi %sub3A_248, %min3A_97 : i32
        %mul3A_250 = arith.constant 16 : i32
        %mul3A_251 = arith.muli %while3A_147, %mul3A_250 : i32
        %add3A_252 = arith.addi %sub3A_249, %mul3A_251 : i32
        %swap3A_253 = arith.constant 11 : i32
        %swap3A_254 = arith.index_cast %swap3A_253 : i32 to index
        %swap3A_255 = arith.index_cast %add3A_252 : i32 to index
        %swap3A_256 = tpu.vector_load %arg6[%swap3A_254, %swap3A_255] {strides = array<i32>} : memref<16x2048xf32, #tpu.memory_space<vmem>>, vector<16xf32>,
        tpu.vector_store %arg6[%swap3A_254, %swap3A_255], %broadcast_in_dim3A_70 {strides = array<i32>} : memref<16x2048xf32, #tpu.memory_space<vmem>>, vector<16xf32>,
        %sub3A_257 = arith.constant 1000000 : i32
        %sub3A_258 = arith.subi %sub3A_257, %min3A_97 : i32
        %mul3A_259 = arith.constant 16 : i32
        %mul3A_260 = arith.muli %while3A_147, %mul3A_259 : i32
        %add3A_261 = arith.addi %sub3A_258, %mul3A_260 : i32
        %swap3A_262 = arith.constant 12 : i32
        %swap3A_263 = arith.index_cast %swap3A_262 : i32 to index
        %swap3A_264 = arith.index_cast %add3A_261 : i32 to index
        %swap3A_265 = tpu.vector_load %arg6[%swap3A_263, %swap3A_264] {strides = array<i32>} : memref<16x2048xf32, #tpu.memory_space<vmem>>, vector<16xf32>,
        tpu.vector_store %arg6[%swap3A_263, %swap3A_264], %broadcast_in_dim3A_70 {strides = array<i32>} : memref<16x2048xf32, #tpu.memory_space<vmem>>, vector<16xf32>,
        %sub3A_266 = arith.constant 1000000 : i32
        %sub3A_267 = arith.subi %sub3A_266, %min3A_97 : i32
        %mul3A_268 = arith.constant 16 : i32
        %mul3A_269 = arith.muli %while3A_147, %mul3A_268 : i32
        %add3A_270 = arith.addi %sub3A_267, %mul3A_269 : i32
        %swap3A_271 = arith.constant 13 : i32
        %swap3A_272 = arith.index_cast %swap3A_271 : i32 to index
        %swap3A_273 = arith.index_cast %add3A_270 : i32 to index
        %swap3A_274 = tpu.vector_load %arg6[%swap3A_272, %swap3A_273] {strides = array<i32>} : memref<16x2048xf32, #tpu.memory_space<vmem>>, vector<16xf32>,
        tpu.vector_store %arg6[%swap3A_272, %swap3A_273], %broadcast_in_dim3A_70 {strides = array<i32>} : memref<16x2048xf32, #tpu.memory_space<vmem>>, vector<16xf32>,
        %sub3A_275 = arith.constant 1000000 : i32
        %sub3A_276 = arith.subi %sub3A_275, %min3A_97 : i32
        %mul3A_277 = arith.constant 16 : i32
        %mul3A_278 = arith.muli %while3A_147, %mul3A_277 : i32
        %add3A_279 = arith.addi %sub3A_276, %mul3A_278 : i32
        %swap3A_280 = arith.constant 14 : i32
        %swap3A_281 = arith.index_cast %swap3A_280 : i32 to index
        %swap3A_282 = arith.index_cast %add3A_279 : i32 to index
        %swap3A_283 = tpu.vector_load %arg6[%swap3A_281, %swap3A_282] {strides = array<i32>} : memref<16x2048xf32, #tpu.memory_space<vmem>>, vector<16xf32>,
        tpu.vector_store %arg6[%swap3A_281, %swap3A_282], %broadcast_in_dim3A_70 {strides = array<i32>} : memref<16x2048xf32, #tpu.memory_space<vmem>>, vector<16xf32>,
        %sub3A_284 = arith.constant 1000000 : i32
        %sub3A_285 = arith.subi %sub3A_284, %min3A_97 : i32
        %mul3A_286 = arith.constant 16 : i32
        %mul3A_287 = arith.muli %while3A_147, %mul3A_286 : i32
        %add3A_288 = arith.addi %sub3A_285, %mul3A_287 : i32
        %swap3A_289 = arith.constant 15 : i32
        %swap3A_290 = arith.index_cast %swap3A_289 : i32 to index
        %swap3A_291 = arith.index_cast %add3A_288 : i32 to index
        %swap3A_292 = tpu.vector_load %arg6[%swap3A_290, %swap3A_291] {strides = array<i32>} : memref<16x2048xf32, #tpu.memory_space<vmem>>, vector<16xf32>,
        tpu.vector_store %arg6[%swap3A_290, %swap3A_291], %broadcast_in_dim3A_70 {strides = array<i32>} : memref<16x2048xf32, #tpu.memory_space<vmem>>, vector<16xf32>,
        %while3A_293 = arith.constant 0 : i32
        scf.yield %while3A_293 : i32
      }
    } else {
    }
    %add3A_102 = vector.broadcast %min3A_97 : i32 to vector<16xi32>
    %add3A_103 = arith.addi %add3A_102, %iota3A : vector<16xi32>
    %scan3A_104 = arith.constant 0 : i32
    %scan3A_105 = arith.constant 128 : i32
    %scan3A_106 = arith.addi %scan3A_104, %scan3A_105 : i32
    %scan3A_107 = arith.constant 1 : i32
    %scan3A_108:2 = scf.for %scan3A_113 = %scan3A_104 to %scan3A_106 step %scan3A_107 iter_args(%scan3A_114 = %scan3A_87#0, %scan3A_115 = %scan3A_87#1) -> (vector<16xf32>, vector<16xi32>)  : i32 {
      %mul3A_116 = arith.constant 16 : i32
      %mul3A_117 = arith.muli %scan3A_113, %mul3A_116 : i32
      %get3A_118 = arith.constant 0 : i32
      %get3A_119 = arith.index_cast %get3A_118 : i32 to index
      %get3A_120 = arith.index_cast %mul3A_117 : i32 to index
      %get3A_121 = tpu.vector_load %arg6[%get3A_119, %get3A_120] {strides = array<i32>} : memref<16x2048xf32, #tpu.memory_space<vmem>>, vector<16xf32>,
      %sub3A_122 = arith.subf %get3A_121, %broadcast_in_dim3A : vector<16xf32>
      %mul3A_123 = arith.mulf %sub3A_122, %sub3A_122 : vector<16xf32>
      %get3A_124 = arith.constant 1 : i32
      %get3A_125 = arith.index_cast %get3A_124 : i32 to index
      %get3A_126 = arith.index_cast %mul3A_117 : i32 to index
      %get3A_127 = tpu.vector_load %arg6[%get3A_125, %get3A_126] {strides = array<i32>} : memref<16x2048xf32, #tpu.memory_space<vmem>>, vector<16xf32>,
      %sub3A_128 = arith.subf %get3A_127, %broadcast_in_dim3A_22 : vector<16xf32>
      %mul3A_129 = arith.mulf %sub3A_128, %sub3A_128 : vector<16xf32>
      %get3A_130 = arith.constant 2 : i32
      %get3A_131 = arith.index_cast %get3A_130 : i32 to index
      %get3A_132 = arith.index_cast %mul3A_117 : i32 to index
      %get3A_133 = tpu.vector_load %arg6[%get3A_131, %get3A_132] {strides = array<i32>} : memref<16x2048xf32, #tpu.memory_space<vmem>>, vector<16xf32>,
      %sub3A_134 = arith.subf %get3A_133, %broadcast_in_dim3A_25 : vector<16xf32>
      %mul3A_135 = arith.mulf %sub3A_134, %sub3A_134 : vector<16xf32>
      %get3A_136 = arith.constant 3 : i32
      %get3A_137 = arith.index_cast %get3A_136 : i32 to index
      %get3A_138 = arith.index_cast %mul3A_117 : i32 to index
      %get3A_139 = tpu.vector_load %arg6[%get3A_137, %get3A_138] {strides = array<i32>} : memref<16x2048xf32, #tpu.memory_space<vmem>>, vector<16xf32>,
      %sub3A_140 = arith.subf %get3A_139, %broadcast_in_dim3A_28 : vector<16xf32>
      %mul3A_141 = arith.mulf %sub3A_140, %sub3A_140 : vector<16xf32>
      %get3A_142 = arith.constant 4 : i32
      %get3A_143 = arith.index_cast %get3A_142 : i32 to index
      %get3A_144 = arith.index_cast %mul3A_117 : i32 to index
      %get3A_145 = tpu.vector_load %arg6[%get3A_143, %get3A_144] {strides = array<i32>} : memref<16x2048xf32, #tpu.memory_space<vmem>>, vector<16xf32>,
      %sub3A_146 = arith.subf %get3A_145, %broadcast_in_dim3A_31 : vector<16xf32>
      %mul3A_147 = arith.mulf %sub3A_146, %sub3A_146 : vector<16xf32>
      %get3A_148 = arith.constant 5 : i32
      %get3A_149 = arith.index_cast %get3A_148 : i32 to index
      %get3A_150 = arith.index_cast %mul3A_117 : i32 to index
      %get3A_151 = tpu.vector_load %arg6[%get3A_149, %get3A_150] {strides = array<i32>} : memref<16x2048xf32, #tpu.memory_space<vmem>>, vector<16xf32>,
      %sub3A_152 = arith.subf %get3A_151, %broadcast_in_dim3A_34 : vector<16xf32>
      %mul3A_153 = arith.mulf %sub3A_152, %sub3A_152 : vector<16xf32>
      %get3A_154 = arith.constant 6 : i32
      %get3A_155 = arith.index_cast %get3A_154 : i32 to index
      %get3A_156 = arith.index_cast %mul3A_117 : i32 to index
      %get3A_157 = tpu.vector_load %arg6[%get3A_155, %get3A_156] {strides = array<i32>} : memref<16x2048xf32, #tpu.memory_space<vmem>>, vector<16xf32>,
      %sub3A_158 = arith.subf %get3A_157, %broadcast_in_dim3A_37 : vector<16xf32>
      %mul3A_159 = arith.mulf %sub3A_158, %sub3A_158 : vector<16xf32>
      %get3A_160 = arith.constant 7 : i32
      %get3A_161 = arith.index_cast %get3A_160 : i32 to index
      %get3A_162 = arith.index_cast %mul3A_117 : i32 to index
      %get3A_163 = tpu.vector_load %arg6[%get3A_161, %get3A_162] {strides = array<i32>} : memref<16x2048xf32, #tpu.memory_space<vmem>>, vector<16xf32>,
      %sub3A_164 = arith.subf %get3A_163, %broadcast_in_dim3A_40 : vector<16xf32>
      %mul3A_165 = arith.mulf %sub3A_164, %sub3A_164 : vector<16xf32>
      %get3A_166 = arith.constant 8 : i32
      %get3A_167 = arith.index_cast %get3A_166 : i32 to index
      %get3A_168 = arith.index_cast %mul3A_117 : i32 to index
      %get3A_169 = tpu.vector_load %arg6[%get3A_167, %get3A_168] {strides = array<i32>} : memref<16x2048xf32, #tpu.memory_space<vmem>>, vector<16xf32>,
      %sub3A_170 = arith.subf %get3A_169, %broadcast_in_dim3A_43 : vector<16xf32>
      %mul3A_171 = arith.mulf %sub3A_170, %sub3A_170 : vector<16xf32>
      %get3A_172 = arith.constant 9 : i32
      %get3A_173 = arith.index_cast %get3A_172 : i32 to index
      %get3A_174 = arith.index_cast %mul3A_117 : i32 to index
      %get3A_175 = tpu.vector_load %arg6[%get3A_173, %get3A_174] {strides = array<i32>} : memref<16x2048xf32, #tpu.memory_space<vmem>>, vector<16xf32>,
      %sub3A_176 = arith.subf %get3A_175, %broadcast_in_dim3A_46 : vector<16xf32>
      %mul3A_177 = arith.mulf %sub3A_176, %sub3A_176 : vector<16xf32>
      %get3A_178 = arith.constant 10 : i32
      %get3A_179 = arith.index_cast %get3A_178 : i32 to index
      %get3A_180 = arith.index_cast %mul3A_117 : i32 to index
      %get3A_181 = tpu.vector_load %arg6[%get3A_179, %get3A_180] {strides = array<i32>} : memref<16x2048xf32, #tpu.memory_space<vmem>>, vector<16xf32>,
      %sub3A_182 = arith.subf %get3A_181, %broadcast_in_dim3A_49 : vector<16xf32>
      %mul3A_183 = arith.mulf %sub3A_182, %sub3A_182 : vector<16xf32>
      %get3A_184 = arith.constant 11 : i32
      %get3A_185 = arith.index_cast %get3A_184 : i32 to index
      %get3A_186 = arith.index_cast %mul3A_117 : i32 to index
      %get3A_187 = tpu.vector_load %arg6[%get3A_185, %get3A_186] {strides = array<i32>} : memref<16x2048xf32, #tpu.memory_space<vmem>>, vector<16xf32>,
      %sub3A_188 = arith.subf %get3A_187, %broadcast_in_dim3A_52 : vector<16xf32>
      %mul3A_189 = arith.mulf %sub3A_188, %sub3A_188 : vector<16xf32>
      %get3A_190 = arith.constant 12 : i32
      %get3A_191 = arith.index_cast %get3A_190 : i32 to index
      %get3A_192 = arith.index_cast %mul3A_117 : i32 to index
      %get3A_193 = tpu.vector_load %arg6[%get3A_191, %get3A_192] {strides = array<i32>} : memref<16x2048xf32, #tpu.memory_space<vmem>>, vector<16xf32>,
      %sub3A_194 = arith.subf %get3A_193, %broadcast_in_dim3A_55 : vector<16xf32>
      %mul3A_195 = arith.mulf %sub3A_194, %sub3A_194 : vector<16xf32>
      %get3A_196 = arith.constant 13 : i32
      %get3A_197 = arith.index_cast %get3A_196 : i32 to index
      %get3A_198 = arith.index_cast %mul3A_117 : i32 to index
      %get3A_199 = tpu.vector_load %arg6[%get3A_197, %get3A_198] {strides = array<i32>} : memref<16x2048xf32, #tpu.memory_space<vmem>>, vector<16xf32>,
      %sub3A_200 = arith.subf %get3A_199, %broadcast_in_dim3A_58 : vector<16xf32>
      %mul3A_201 = arith.mulf %sub3A_200, %sub3A_200 : vector<16xf32>
      %get3A_202 = arith.constant 14 : i32
      %get3A_203 = arith.index_cast %get3A_202 : i32 to index
      %get3A_204 = arith.index_cast %mul3A_117 : i32 to index
      %get3A_205 = tpu.vector_load %arg6[%get3A_203, %get3A_204] {strides = array<i32>} : memref<16x2048xf32, #tpu.memory_space<vmem>>, vector<16xf32>,
      %sub3A_206 = arith.subf %get3A_205, %broadcast_in_dim3A_61 : vector<16xf32>
      %mul3A_207 = arith.mulf %sub3A_206, %sub3A_206 : vector<16xf32>
      %get3A_208 = arith.constant 15 : i32
      %get3A_209 = arith.index_cast %get3A_208 : i32 to index
      %get3A_210 = arith.index_cast %mul3A_117 : i32 to index
      %get3A_211 = tpu.vector_load %arg6[%get3A_209, %get3A_210] {strides = array<i32>} : memref<16x2048xf32, #tpu.memory_space<vmem>>, vector<16xf32>,
      %sub3A_212 = arith.subf %get3A_211, %broadcast_in_dim3A_64 : vector<16xf32>
      %mul3A_213 = arith.mulf %sub3A_212, %sub3A_212 : vector<16xf32>
      %add3A_214 = arith.addf %mul3A_123, %mul3A_129 : vector<16xf32>
      %add3A_215 = arith.addf %mul3A_135, %mul3A_141 : vector<16xf32>
      %add3A_216 = arith.addf %mul3A_147, %mul3A_153 : vector<16xf32>
      %add3A_217 = arith.addf %mul3A_159, %mul3A_165 : vector<16xf32>
      %add3A_218 = arith.addf %mul3A_171, %mul3A_177 : vector<16xf32>
      %add3A_219 = arith.addf %mul3A_183, %mul3A_189 : vector<16xf32>
      %add3A_220 = arith.addf %mul3A_195, %mul3A_201 : vector<16xf32>
      %add3A_221 = arith.addf %mul3A_207, %mul3A_213 : vector<16xf32>
      %add3A_222 = arith.addf %add3A_214, %add3A_215 : vector<16xf32>
      %add3A_223 = arith.addf %add3A_216, %add3A_217 : vector<16xf32>
      %add3A_224 = arith.addf %add3A_218, %add3A_219 : vector<16xf32>
      %add3A_225 = arith.addf %add3A_220, %add3A_221 : vector<16xf32>
      %add3A_226 = arith.addf %add3A_222, %add3A_223 : vector<16xf32>
      %add3A_227 = arith.addf %add3A_224, %add3A_225 : vector<16xf32>
      %add3A_228 = arith.addf %add3A_226, %add3A_227 : vector<16xf32>
      %lt3A_229 = arith.cmpf olt, %add3A_228, %scan3A_114 : vector<16xf32>
      %min3A_230 = arith.minimumf %add3A_228, %scan3A_114 : vector<16xf32>
      %add3A_231 = vector.broadcast %mul3A_117 : i32 to vector<16xi32>
      %add3A_232 = arith.addi %add3A_103, %add3A_231 : vector<16xi32>
      %select_n3A_233 = arith.select %lt3A_229, %add3A_232, %scan3A_115 : vector<16xi1>, vector<16xi32>
      scf.yield %min3A_230, %select_n3A_233 : vector<16xf32>, vector<16xi32>
    }
    %scan3A_109 = arith.constant 128 : i32
    %swap3A = arith.constant 0 : index
    %swap3A_110 = tpu.vector_load %arg9[%swap3A] {strides = array<i32>} : memref<16xf32, #tpu.memory_space<vmem>>, vector<16xf32>,
    tpu.vector_store %arg9[%swap3A], %scan3A_108#0 {strides = array<i32>} : memref<16xf32, #tpu.memory_space<vmem>>, vector<16xf32>,
    %swap3A_111 = arith.constant 0 : index
    %swap3A_112 = tpu.vector_load %arg10[%swap3A_111] {strides = array<i32>} : memref<16xi32, #tpu.memory_space<vmem>>, vector<16xi32>,
    tpu.vector_store %arg10[%swap3A_111], %scan3A_108#1 {strides = array<i32>} : memref<16xi32, #tpu.memory_space<vmem>>, vector<16xi32>,
    "tpu.region"() ({
      %run_scoped3A = tpu.sem_alloc : memref<!tpu.dma_semaphore, #tpu.memory_space<semaphore_mem>>
      %dma_start3A_113 = arith.constant 0 : i32
      %dma_start3A_114 = tpu.memref_slice %arg4[%add3A, %dma_start3A_113] : memref<32x16xf32, #tpu.memory_space<hbm>> -> memref<1x16xf32, #tpu.memory_space<hbm>>
      %dma_start3A_115 = tpu.memref_squeeze %dma_start3A_114 : memref<1x16xf32, #tpu.memory_space<hbm>> -> memref<16xf32, #tpu.memory_space<hbm>>
      %dma_start3A_116 = arith.constant 0 : i32
      %dma_start3A_117 = tpu.memref_slice %arg4[%add3A, %dma_start3A_116] : memref<32x16xf32, #tpu.memory_space<hbm>> -> memref<1x16xf32, #tpu.memory_space<hbm>>
      %dma_start3A_118 = tpu.memref_squeeze %dma_start3A_117 : memref<1x16xf32, #tpu.memory_space<hbm>> -> memref<16xf32, #tpu.memory_space<hbm>>
      tpu.enqueue_dma source(%arg9 : memref<16xf32, #tpu.memory_space<vmem>>) target(%dma_start3A_118 : memref<16xf32, #tpu.memory_space<hbm>>) target_semaphore(%run_scoped3A : memref<!tpu.dma_semaphore, #tpu.memory_space<semaphore_mem>>)
      %dma_wait3A_119 = arith.constant 0 : i32
      %dma_wait3A_120 = tpu.memref_slice %arg4[%add3A, %dma_wait3A_119] : memref<32x16xf32, #tpu.memory_space<hbm>> -> memref<1x16xf32, #tpu.memory_space<hbm>>
      %dma_wait3A_121 = tpu.memref_squeeze %dma_wait3A_120 : memref<1x16xf32, #tpu.memory_space<hbm>> -> memref<16xf32, #tpu.memory_space<hbm>>
      %dma_wait3A_122 = arith.constant 0 : i32
      %dma_wait3A_123 = tpu.memref_slice %arg4[%add3A, %dma_wait3A_122] : memref<32x16xf32, #tpu.memory_space<hbm>> -> memref<1x16xf32, #tpu.memory_space<hbm>>
      %dma_wait3A_124 = tpu.memref_squeeze %dma_wait3A_123 : memref<1x16xf32, #tpu.memory_space<hbm>> -> memref<16xf32, #tpu.memory_space<hbm>>
      tpu.wait_dma2 semaphore(%run_scoped3A : memref<!tpu.dma_semaphore, #tpu.memory_space<semaphore_mem>>) src(%arg9 : memref<16xf32, #tpu.memory_space<vmem>>) dst(%dma_wait3A_124 : memref<16xf32, #tpu.memory_space<hbm>>)
      tpu.yield
    }) : () -> ()
    "tpu.region"() ({
      %run_scoped3A = tpu.sem_alloc : memref<!tpu.dma_semaphore, #tpu.memory_space<semaphore_mem>>
      %dma_start3A_113 = arith.constant 0 : i32
      %dma_start3A_114 = tpu.memref_slice %arg5[%add3A, %dma_start3A_113] : memref<32x16xi32, #tpu.memory_space<hbm>> -> memref<1x16xi32, #tpu.memory_space<hbm>>
      %dma_start3A_115 = tpu.memref_squeeze %dma_start3A_114 : memref<1x16xi32, #tpu.memory_space<hbm>> -> memref<16xi32, #tpu.memory_space<hbm>>
      %dma_start3A_116 = arith.constant 0 : i32
      %dma_start3A_117 = tpu.memref_slice %arg5[%add3A, %dma_start3A_116] : memref<32x16xi32, #tpu.memory_space<hbm>> -> memref<1x16xi32, #tpu.memory_space<hbm>>
      %dma_start3A_118 = tpu.memref_squeeze %dma_start3A_117 : memref<1x16xi32, #tpu.memory_space<hbm>> -> memref<16xi32, #tpu.memory_space<hbm>>
      tpu.enqueue_dma source(%arg10 : memref<16xi32, #tpu.memory_space<vmem>>) target(%dma_start3A_118 : memref<16xi32, #tpu.memory_space<hbm>>) target_semaphore(%run_scoped3A : memref<!tpu.dma_semaphore, #tpu.memory_space<semaphore_mem>>)
      %dma_wait3A_119 = arith.constant 0 : i32
      %dma_wait3A_120 = tpu.memref_slice %arg5[%add3A, %dma_wait3A_119] : memref<32x16xi32, #tpu.memory_space<hbm>> -> memref<1x16xi32, #tpu.memory_space<hbm>>
      %dma_wait3A_121 = tpu.memref_squeeze %dma_wait3A_120 : memref<1x16xi32, #tpu.memory_space<hbm>> -> memref<16xi32, #tpu.memory_space<hbm>>
      %dma_wait3A_122 = arith.constant 0 : i32
      %dma_wait3A_123 = tpu.memref_slice %arg5[%add3A, %dma_wait3A_122] : memref<32x16xi32, #tpu.memory_space<hbm>> -> memref<1x16xi32, #tpu.memory_space<hbm>>
      %dma_wait3A_124 = tpu.memref_squeeze %dma_wait3A_123 : memref<1x16xi32, #tpu.memory_space<hbm>> -> memref<16xi32, #tpu.memory_space<hbm>>
      tpu.wait_dma2 semaphore(%run_scoped3A : memref<!tpu.dma_semaphore, #tpu.memory_space<semaphore_mem>>) src(%arg10 : memref<16xi32, #tpu.memory_space<vmem>>) dst(%dma_wait3A_124 : memref<16xi32, #tpu.memory_space<hbm>>)
      tpu.yield
    }) : () -> ()
    return
  }
}

module attributes {stable_mosaic.version = 14 : i64} {
  func.func @stage2(%arg0: memref<32x16xf32, #tpu.memory_space<vmem>>, %arg1: memref<32x16xi32, #tpu.memory_space<vmem>>, %arg2: memref<1x4096xf32, #tpu.memory_space<vmem>>, %arg3: memref<1x4096xi32, #tpu.memory_space<vmem>>, %arg4: memref<16x1000000xf32, #tpu.memory_space<any>>, %arg5: memref<16x1000000xf32, #tpu.memory_space<any>>, %arg6: memref<1x16xf32, #tpu.memory_space<vmem>>, %arg7: memref<1x16xf32, #tpu.memory_space<vmem>>, %arg8: memref<16x128xf32, #tpu.memory_space<vmem>>, %arg9: memref<16x128xf32, #tpu.memory_space<vmem>>, %arg10: memref<!tpu.dma_semaphore, #tpu.memory_space<semaphore_mem>>) attributes {dimension_semantics = [], scalar_prefetch = 0 : i64, scratch_operands = 3 : i64, tpu.core_type = #tpu.core_type<tc>} {
    %get3A = arith.constant 0 : index
    %get3A_0 = arith.constant 0 : index
    %get3A_1 = vector.load %arg0[%get3A, %get3A_0] : memref<32x16xf32, #tpu.memory_space<vmem>>, vector<32x16xf32>
    %get3A_2 = arith.constant 0 : index
    %get3A_3 = arith.constant 0 : index
    %get3A_4 = vector.load %arg1[%get3A_2, %get3A_3] : memref<32x16xi32, #tpu.memory_space<vmem>>, vector<32x16xi32>
    %reduce_min3A = vector.shape_cast %get3A_1 : vector<32x16xf32> to vector<1x32x16xf32>
    %reduce_min3A_5 = arith.constant dense<0x7F800000> : vector<1xf32>
    %reduce_min3A_6 = vector.multi_reduction <minimumf>, %reduce_min3A, %reduce_min3A_5 [1, 2] : vector<1x32x16xf32> to vector<1xf32>
    %reduce_min3A_7 = vector.shape_cast %reduce_min3A_6 : vector<1xf32> to vector<1x1x1xf32>
    %reduce_min3A_8 = vector.extract %reduce_min3A_7[0, 0, 0] : f32 from vector<1x1x1xf32>
    %eq3A = vector.broadcast %reduce_min3A_8 : f32 to vector<32x16xf32>
    %eq3A_9 = arith.cmpf oeq, %get3A_1, %eq3A : vector<32x16xf32>
    %jit3A = arith.constant 2147483647 : i32
    %broadcast_in_dim3A = vector.broadcast %jit3A : i32 to vector<32x16xi32>
    %select_n3A = arith.select %eq3A_9, %get3A_4, %broadcast_in_dim3A : vector<32x16xi1>, vector<32x16xi32>
    %reduce_min3A_10 = vector.shape_cast %select_n3A : vector<32x16xi32> to vector<1x32x16xi32>
    %reduce_min3A_11 = arith.constant dense<2147483647> : vector<1xi32>
    %reduce_min3A_12 = vector.multi_reduction <minsi>, %reduce_min3A_10, %reduce_min3A_11 [1, 2] : vector<1x32x16xi32> to vector<1xi32>
    %reduce_min3A_13 = vector.shape_cast %reduce_min3A_12 : vector<1xi32> to vector<1x1x1xi32>
    %reduce_min3A_14 = vector.extract %reduce_min3A_13[0, 0, 0] : i32 from vector<1x1x1xi32>
    %get3A_15 = arith.constant 0 : index
    %get3A_16 = arith.constant 0 : index
    %get3A_17 = vector.load %arg2[%get3A_15, %get3A_16] : memref<1x4096xf32, #tpu.memory_space<vmem>>, vector<1x4096xf32>
    %reduce_min3A_18 = vector.shape_cast %get3A_17 : vector<1x4096xf32> to vector<1x1x4096xf32>
    %reduce_min3A_19 = arith.constant dense<0x7F800000> : vector<1xf32>
    %reduce_min3A_20 = vector.multi_reduction <minimumf>, %reduce_min3A_18, %reduce_min3A_19 [1, 2] : vector<1x1x4096xf32> to vector<1xf32>
    %reduce_min3A_21 = vector.shape_cast %reduce_min3A_20 : vector<1xf32> to vector<1x1x1xf32>
    %reduce_min3A_22 = vector.extract %reduce_min3A_21[0, 0, 0] : f32 from vector<1x1x1xf32>
    %eq3A_23 = vector.broadcast %reduce_min3A_22 : f32 to vector<1x4096xf32>
    %eq3A_24 = arith.cmpf oeq, %get3A_17, %eq3A_23 : vector<1x4096xf32>
    %get3A_25 = arith.constant 0 : index
    %get3A_26 = arith.constant 0 : index
    %get3A_27 = vector.load %arg3[%get3A_25, %get3A_26] : memref<1x4096xi32, #tpu.memory_space<vmem>>, vector<1x4096xi32>
    %jit3A_28 = arith.constant 2147483647 : i32
    %broadcast_in_dim3A_29 = vector.broadcast %jit3A_28 : i32 to vector<1x4096xi32>
    %select_n3A_30 = arith.select %eq3A_24, %get3A_27, %broadcast_in_dim3A_29 : vector<1x4096xi1>, vector<1x4096xi32>
    %reduce_min3A_31 = vector.shape_cast %select_n3A_30 : vector<1x4096xi32> to vector<1x1x4096xi32>
    %reduce_min3A_32 = arith.constant dense<2147483647> : vector<1xi32>
    %reduce_min3A_33 = vector.multi_reduction <minsi>, %reduce_min3A_31, %reduce_min3A_32 [1, 2] : vector<1x1x4096xi32> to vector<1xi32>
    %reduce_min3A_34 = vector.shape_cast %reduce_min3A_33 : vector<1xi32> to vector<1x1x1xi32>
    %reduce_min3A_35 = vector.extract %reduce_min3A_34[0, 0, 0] : i32 from vector<1x1x1xi32>
    %lt3A = arith.cmpf olt, %reduce_min3A_22, %reduce_min3A_8 : f32
    %eq3A_36 = arith.cmpf oeq, %reduce_min3A_22, %reduce_min3A_8 : f32
    %lt3A_37 = arith.cmpi slt, %reduce_min3A_35, %reduce_min3A_14 : i32
    %and3A = arith.andi %eq3A_36, %lt3A_37 : i1
    %or3A = arith.ori %lt3A, %and3A : i1
    %select_n3A_38 = arith.select %or3A, %reduce_min3A_35, %reduce_min3A_14 : i32
    %jit3A_39 = arith.constant 128 : i32
    %div3A = arith.divsi %select_n3A_38, %jit3A_39 : i32
    %sign3A = arith.constant 0 : i32
    %sign3A_40 = arith.cmpi sgt, %select_n3A_38, %sign3A : i32
    %sign3A_41 = arith.extui %sign3A_40 : i1 to i32
    %sign3A_42 = arith.constant 0 : i32
    %sign3A_43 = arith.cmpi slt, %select_n3A_38, %sign3A_42 : i32
    %sign3A_44 = arith.extui %sign3A_43 : i1 to i32
    %sign3A_45 = arith.subi %sign3A_41, %sign3A_44 : i32
    %sign3A_46 = arith.constant 0 : i32
    %sign3A_47 = arith.cmpi sgt, %jit3A_39, %sign3A_46 : i32
    %sign3A_48 = arith.extui %sign3A_47 : i1 to i32
    %sign3A_49 = arith.constant 0 : i32
    %sign3A_50 = arith.cmpi slt, %jit3A_39, %sign3A_49 : i32
    %sign3A_51 = arith.extui %sign3A_50 : i1 to i32
    %sign3A_52 = arith.subi %sign3A_48, %sign3A_51 : i32
    %ne3A = arith.cmpi ne, %sign3A_45, %sign3A_52 : i32
    %rem3A = arith.remsi %select_n3A_38, %jit3A_39 : i32
    %ne3A_53 = arith.constant 0 : i32
    %ne3A_54 = arith.cmpi ne, %rem3A, %ne3A_53 : i32
    %and3A_55 = arith.andi %ne3A, %ne3A_54 : i1
    %sub3A = arith.constant 1 : i32
    %sub3A_56 = arith.subi %div3A, %sub3A : i32
    %select_n3A_57 = arith.select %and3A_55, %sub3A_56, %div3A : i32
    %mul3A = arith.constant 128 : i32
    %mul3A_58 = arith.muli %select_n3A_57, %mul3A : i32
    %sub3A_59 = arith.subi %select_n3A_38, %mul3A_58 : i32
    %dma_start3A = arith.constant 0 : i32
    %dma_start3A_60 = tpu.memref_slice %arg4[%dma_start3A, %mul3A_58] : memref<16x1000000xf32, #tpu.memory_space<any>> -> memref<16x128xf32, #tpu.memory_space<any>>
    tpu.enqueue_dma source(%dma_start3A_60 : memref<16x128xf32, #tpu.memory_space<any>>) target(%arg8 : memref<16x128xf32, #tpu.memory_space<vmem>>) target_semaphore(%arg10 : memref<!tpu.dma_semaphore, #tpu.memory_space<semaphore_mem>>)
    %dma_wait3A = arith.constant 0 : i32
    %dma_wait3A_61 = tpu.memref_slice %arg4[%dma_wait3A, %mul3A_58] : memref<16x1000000xf32, #tpu.memory_space<any>> -> memref<16x128xf32, #tpu.memory_space<any>>
    tpu.wait_dma2 semaphore(%arg10 : memref<!tpu.dma_semaphore, #tpu.memory_space<semaphore_mem>>) src(%dma_wait3A_61 : memref<16x128xf32, #tpu.memory_space<any>>) dst(%arg8 : memref<16x128xf32, #tpu.memory_space<vmem>>)
    %dma_start3A_62 = arith.constant 0 : i32
    %dma_start3A_63 = tpu.memref_slice %arg5[%dma_start3A_62, %mul3A_58] : memref<16x1000000xf32, #tpu.memory_space<any>> -> memref<16x128xf32, #tpu.memory_space<any>>
    tpu.enqueue_dma source(%dma_start3A_63 : memref<16x128xf32, #tpu.memory_space<any>>) target(%arg9 : memref<16x128xf32, #tpu.memory_space<vmem>>) target_semaphore(%arg10 : memref<!tpu.dma_semaphore, #tpu.memory_space<semaphore_mem>>)
    %dma_wait3A_64 = arith.constant 0 : i32
    %dma_wait3A_65 = tpu.memref_slice %arg5[%dma_wait3A_64, %mul3A_58] : memref<16x1000000xf32, #tpu.memory_space<any>> -> memref<16x128xf32, #tpu.memory_space<any>>
    tpu.wait_dma2 semaphore(%arg10 : memref<!tpu.dma_semaphore, #tpu.memory_space<semaphore_mem>>) src(%dma_wait3A_65 : memref<16x128xf32, #tpu.memory_space<any>>) dst(%arg9 : memref<16x128xf32, #tpu.memory_space<vmem>>)
    %iota3A = tpu.iota {dimensions = array<i32: 1>} : vector<16x128xi32>
    %eq3A_66 = vector.broadcast %sub3A_59 : i32 to vector<16x128xi32>
    %eq3A_67 = arith.cmpi eq, %iota3A, %eq3A_66 : vector<16x128xi32>
    %get3A_68 = arith.constant 0 : index
    %get3A_69 = arith.constant 0 : index
    %get3A_70 = vector.load %arg8[%get3A_68, %get3A_69] : memref<16x128xf32, #tpu.memory_space<vmem>>, vector<16x128xf32>
    %jit3A_71 = arith.constant 0.000000e+00 : f32
    %broadcast_in_dim3A_72 = vector.broadcast %jit3A_71 : f32 to vector<16x128xf32>
    %select_n3A_73 = arith.select %eq3A_67, %get3A_70, %broadcast_in_dim3A_72 : vector<16x128xi1>, vector<16x128xf32>
    %reduce_sum3A = arith.constant dense<0.000000e+00> : vector<16xf32>
    %reduce_sum3A_74 = vector.multi_reduction <add>, %select_n3A_73, %reduce_sum3A [1] : vector<16x128xf32> to vector<16xf32>
    %get3A_75 = arith.constant 0 : index
    %get3A_76 = arith.constant 0 : index
    %get3A_77 = vector.load %arg9[%get3A_75, %get3A_76] : memref<16x128xf32, #tpu.memory_space<vmem>>, vector<16x128xf32>
    %jit3A_78 = arith.constant 0.000000e+00 : f32
    %broadcast_in_dim3A_79 = vector.broadcast %jit3A_78 : f32 to vector<16x128xf32>
    %select_n3A_80 = arith.select %eq3A_67, %get3A_77, %broadcast_in_dim3A_79 : vector<16x128xi1>, vector<16x128xf32>
    %reduce_sum3A_81 = arith.constant dense<0.000000e+00> : vector<16xf32>
    %reduce_sum3A_82 = vector.multi_reduction <add>, %select_n3A_80, %reduce_sum3A_81 [1] : vector<16x128xf32> to vector<16xf32>
    %reshape3A = vector.shape_cast %reduce_sum3A_74 : vector<16xf32> to vector<1x16xf32>
    %swap3A = arith.constant 0 : index
    %swap3A_83 = arith.constant 0 : index
    %swap3A_84 = vector.load %arg6[%swap3A, %swap3A_83] : memref<1x16xf32, #tpu.memory_space<vmem>>, vector<1x16xf32>
    tpu.vector_store %arg6[%swap3A, %swap3A_83], %reshape3A {strides = array<i32>} : memref<1x16xf32, #tpu.memory_space<vmem>>, vector<1x16xf32>,
    %reshape3A_85 = vector.shape_cast %reduce_sum3A_82 : vector<16xf32> to vector<1x16xf32>
    %swap3A_86 = arith.constant 0 : index
    %swap3A_87 = arith.constant 0 : index
    %swap3A_88 = vector.load %arg7[%swap3A_86, %swap3A_87] : memref<1x16xf32, #tpu.memory_space<vmem>>, vector<1x16xf32>
    tpu.vector_store %arg7[%swap3A_86, %swap3A_87], %reshape3A_85 {strides = array<i32>} : memref<1x16xf32, #tpu.memory_space<vmem>>, vector<1x16xf32>,
    return
  }
}

module attributes {stable_mosaic.version = 14 : i64} {
  func.func @scan(%arg0: i32, %arg1: memref<16x1xf32, #tpu.memory_space<vmem>>, %arg2: memref<16x4096xf32, #tpu.memory_space<vmem>>, %arg3: memref<1x4096xf32, #tpu.memory_space<vmem>>, %arg4: memref<1x4096xi32, #tpu.memory_space<vmem>>, %arg5: memref<1x4096xf32, #tpu.memory_space<vmem>>, %arg6: memref<1x4096xi32, #tpu.memory_space<vmem>>) attributes {dimension_semantics = [#tpu.dimension_semantics<arbitrary>], iteration_bounds = array<i64: 41>, scalar_prefetch = 0 : i64, scratch_operands = 2 : i64, tpu.core_type = #tpu.core_type<tc>, window_params = [{pipeline_mode = #tpu.pipeline_mode<synchronous>, transform_indices = @transform_0, window_bounds = array<i64: 16, 1>}, {transform_indices = @transform_1, window_bounds = array<i64: 16, 4096>}, {pipeline_mode = #tpu.pipeline_mode<synchronous>, transform_indices = @transform_2, window_bounds = array<i64: 1, 4096>}, {pipeline_mode = #tpu.pipeline_mode<synchronous>, transform_indices = @transform_3, window_bounds = array<i64: 1, 4096>}]} {
    %eq3A = arith.constant 0 : i32
    %eq3A_0 = arith.cmpi eq, %arg0, %eq3A : i32
    %convert_element_type3A = arith.extui %eq3A_0 : i1 to i32
    %cond3A = arith.constant 0 : i32
    %cond3A_1 = arith.cmpi ne, %convert_element_type3A, %cond3A : i32
    scf.if %cond3A_1 {
      %broadcast_in_dim3A_28 = arith.constant 0x7F800000 : f32
      %broadcast_in_dim3A_29 = vector.broadcast %broadcast_in_dim3A_28 : f32 to vector<1x4096xf32>
      %swap3A_30 = arith.constant 0 : index
      %swap3A_31 = arith.constant 0 : index
      %swap3A_32 = vector.load %arg5[%swap3A_30, %swap3A_31] : memref<1x4096xf32, #tpu.memory_space<vmem>>, vector<1x4096xf32>
      tpu.vector_store %arg5[%swap3A_30, %swap3A_31], %broadcast_in_dim3A_29 {strides = array<i32>} : memref<1x4096xf32, #tpu.memory_space<vmem>>, vector<1x4096xf32>,
      %broadcast_in_dim3A_33 = arith.constant 0 : i32
      %broadcast_in_dim3A_34 = vector.broadcast %broadcast_in_dim3A_33 : i32 to vector<1x4096xi32>
      %swap3A_35 = arith.constant 0 : index
      %swap3A_36 = arith.constant 0 : index
      %swap3A_37 = vector.load %arg6[%swap3A_35, %swap3A_36] : memref<1x4096xi32, #tpu.memory_space<vmem>>, vector<1x4096xi32>
      tpu.vector_store %arg6[%swap3A_35, %swap3A_36], %broadcast_in_dim3A_34 {strides = array<i32>} : memref<1x4096xi32, #tpu.memory_space<vmem>>, vector<1x4096xi32>,
    } else {
    }
    %get3A = arith.constant 0 : index
    %get3A_2 = arith.constant 0 : index
    %get3A_3 = vector.load %arg2[%get3A, %get3A_2] : memref<16x4096xf32, #tpu.memory_space<vmem>>, vector<16x4096xf32>
    %get3A_4 = arith.constant 0 : index
    %get3A_5 = arith.constant 0 : index
    %get3A_6 = vector.load %arg1[%get3A_4, %get3A_5] : memref<16x1xf32, #tpu.memory_space<vmem>>, vector<16x1xf32>
    %sub3A = vector.broadcast %get3A_6 : vector<16x1xf32> to vector<16x4096xf32>
    %sub3A_7 = arith.subf %get3A_3, %sub3A : vector<16x4096xf32>
    %mul3A = arith.mulf %sub3A_7, %sub3A_7 : vector<16x4096xf32>
    %reduce_sum3A = arith.constant dense<0.000000e+00> : vector<4096xf32>
    %reduce_sum3A_8 = vector.multi_reduction <add>, %mul3A, %reduce_sum3A [0] : vector<16x4096xf32> to vector<4096xf32>
    %broadcast_in_dim3A = vector.shape_cast %reduce_sum3A_8 : vector<4096xf32> to vector<1x4096xf32>
    %mul3A_9 = arith.constant 4096 : i32
    %mul3A_10 = arith.muli %arg0, %mul3A_9 : i32
    %iota3A = tpu.iota {dimensions = array<i32: 1>} : vector<1x4096xi32>
    %add3A = vector.broadcast %mul3A_10 : i32 to vector<1x4096xi32>
    %add3A_11 = arith.addi %add3A, %iota3A : vector<1x4096xi32>
    %get3A_12 = arith.constant 0 : index
    %get3A_13 = arith.constant 0 : index
    %get3A_14 = vector.load %arg5[%get3A_12, %get3A_13] : memref<1x4096xf32, #tpu.memory_space<vmem>>, vector<1x4096xf32>
    %lt3A = arith.cmpf olt, %broadcast_in_dim3A, %get3A_14 : vector<1x4096xf32>
    %min3A = arith.minimumf %broadcast_in_dim3A, %get3A_14 : vector<1x4096xf32>
    %swap3A = arith.constant 0 : index
    %swap3A_15 = arith.constant 0 : index
    %swap3A_16 = vector.load %arg5[%swap3A, %swap3A_15] : memref<1x4096xf32, #tpu.memory_space<vmem>>, vector<1x4096xf32>
    tpu.vector_store %arg5[%swap3A, %swap3A_15], %min3A {strides = array<i32>} : memref<1x4096xf32, #tpu.memory_space<vmem>>, vector<1x4096xf32>,
    %get3A_17 = arith.constant 0 : index
    %get3A_18 = arith.constant 0 : index
    %get3A_19 = vector.load %arg6[%get3A_17, %get3A_18] : memref<1x4096xi32, #tpu.memory_space<vmem>>, vector<1x4096xi32>
    %select_n3A = arith.select %lt3A, %add3A_11, %get3A_19 : vector<1x4096xi1>, vector<1x4096xi32>
    %swap3A_20 = arith.constant 0 : index
    %swap3A_21 = arith.constant 0 : index
    %swap3A_22 = vector.load %arg6[%swap3A_20, %swap3A_21] : memref<1x4096xi32, #tpu.memory_space<vmem>>, vector<1x4096xi32>
    tpu.vector_store %arg6[%swap3A_20, %swap3A_21], %select_n3A {strides = array<i32>} : memref<1x4096xi32, #tpu.memory_space<vmem>>, vector<1x4096xi32>,
    %eq3A_23 = arith.constant 40 : i32
    %eq3A_24 = arith.cmpi eq, %arg0, %eq3A_23 : i32
    %convert_element_type3A_25 = arith.extui %eq3A_24 : i1 to i32
    %cond3A_26 = arith.constant 0 : i32
    %cond3A_27 = arith.cmpi ne, %convert_element_type3A_25, %cond3A_26 : i32
    scf.if %cond3A_27 {
      %get3A_28 = arith.constant 0 : index
      %get3A_29 = arith.constant 0 : index
      %get3A_30 = vector.load %arg5[%get3A_28, %get3A_29] : memref<1x4096xf32, #tpu.memory_space<vmem>>, vector<1x4096xf32>
      %swap3A_31 = arith.constant 0 : index
      %swap3A_32 = arith.constant 0 : index
      %swap3A_33 = vector.load %arg3[%swap3A_31, %swap3A_32] : memref<1x4096xf32, #tpu.memory_space<vmem>>, vector<1x4096xf32>
      tpu.vector_store %arg3[%swap3A_31, %swap3A_32], %get3A_30 {strides = array<i32>} : memref<1x4096xf32, #tpu.memory_space<vmem>>, vector<1x4096xf32>,
      %get3A_34 = arith.constant 0 : index
      %get3A_35 = arith.constant 0 : index
      %get3A_36 = vector.load %arg6[%get3A_34, %get3A_35] : memref<1x4096xi32, #tpu.memory_space<vmem>>, vector<1x4096xi32>
      %swap3A_37 = arith.constant 0 : index
      %swap3A_38 = arith.constant 0 : index
      %swap3A_39 = vector.load %arg4[%swap3A_37, %swap3A_38] : memref<1x4096xi32, #tpu.memory_space<vmem>>, vector<1x4096xi32>
      tpu.vector_store %arg4[%swap3A_37, %swap3A_38], %get3A_36 {strides = array<i32>} : memref<1x4096xi32, #tpu.memory_space<vmem>>, vector<1x4096xi32>,
    } else {
    }
    return
  }
  func.func @transform_0(%arg0: i32) -> (i32, i32) {
    %c0_i32 = arith.constant 0 : i32
    %c0_i32_0 = arith.constant 0 : i32
    %c0_i32_1 = arith.constant 0 : i32
    return %c0_i32, %c0_i32_0 : i32, i32
  }
  func.func @transform_1(%arg0: i32) -> (i32, i32) {
    %c0_i32 = arith.constant 0 : i32
    %c0_i32_0 = arith.constant 0 : i32
    return %c0_i32, %arg0 : i32, i32
  }
  func.func @transform_2(%arg0: i32) -> (i32, i32) {
    %c0_i32 = arith.constant 0 : i32
    %c0_i32_0 = arith.constant 0 : i32
    %c0_i32_1 = arith.constant 0 : i32
    return %c0_i32, %c0_i32_0 : i32, i32
  }
  func.func @transform_3(%arg0: i32) -> (i32, i32) {
    %c0_i32 = arith.constant 0 : i32
    %c0_i32_0 = arith.constant 0 : i32
    %c0_i32_1 = arith.constant 0 : i32
    return %c0_i32, %c0_i32_0 : i32, i32
  }
}

</mosaic_0001>

<sc_bundles>
// kernel: kernel.5.cloned.1.call-start
scs
__scs_entry_jumppad:
0x0: {  	(pc) =	sbr.rel $0x88, $3  }
0x1: {  	(tag) =	ssettag $0x0;
	lr =	simm.s32 $0x1  }
0x2: {  	[smem:$0x3F9D] =	sst lr;
	_ =	strace $0xD0000000  }
0x3: {  	_ = 	snop  }
0x4: {  	_ = 	snop  }
0x5: {  	_ = 	snop  }
0x6: {  	_ = 	snop  }
0x7: {  	_ = 	snop  }
__scs_overlays_trampoline_lowered:
0x8: {  	[smem:$0x3FAC] =	sst s0  }
0x9: {  	[smem:$0x3FAD] =	sst s1  }
0xa: {  	[smem:$0x3FAE] =	sst s2  }
0xb: {  	[smem:$0x3FAF] =	sst s3  }
0xc: {  	[smem:$0x3FB0] =	sst s4  }
0xd: {  	[smem:$0x3FB1] =	sst s5  }
0xe: {  	[smem:$0x3FB2] =	sst s6  }
0xf: {  	[smem:$0x3FB3] =	sst s7  }
0x10: {  	[smem:$0x3FB4] =	sst s8  }
0x11: {  	[smem:$0x3FB5] =	sst s9;
	s0 =	simm.s32 @!p0 $0x0  }
0x12: {  	s1 =	sld [smem:$0x3F9B];
	s0 =	simm.s32 @p0 $0x1  }
0x13: {  	[smem:$0x3FB6] =	sst s0;
	s0 =	simm.s32 @!p1 $0x0  }
0x14: {  	s2 =	sld [smem:$0x3F9A];
	s0 =	simm.s32 @p1 $0x1  }
0x15: {  	[smem:$0x3FB7] =	sst s0;
	s0 =	simm.s32 @!p2 $0x0  }
0x16: {  	s3 =	sld [smem:$0x3FDB];
	s0 =	simm.s32 @p2 $0x1  }
0x17: {  	s4 =	simm.s32 $0x1BF5;
	[smem:$0x3FB9] =	sst s0  }
0x18: {  	s0 =	sld [smem:$0x3F9C];
	_ =	swait.ge [sflag:s4], $0x0  }
0x19: {  	s7 =	sld [smem:$0x3F9D]  }
0x1a: {  	s8 =	sadd.s32 $0xFFFFE003, lr  }
0x1b: {  	s9 =	sadd.s32 $0xFFFFFEF7, lr;
	s5 =	simm.s32 $0xFFFFFFFF;
	p2 =	slt.u32 s8, $0xFFFFF086  }
0x1c: {  	p1 =	slt.u32 s9, $0xF7A;
	s5 =	simm.s32 @!p2 $0x0  }
0x1d: {  	s5 =	simm.s32 @p1 $0x1;
	p0 =	seq.s32 s7, s2  }
0x1e: {  	s7 =	smul.u32 @!p0 $0xF7A, s2;
	p2 =	seq.s32 @!p0 s5, $0x0  }
0x1f: {  	s9 =	smul.u32 $0xF7A, s1;
	s8 =	simm.s32 @!p0 $0x1BF5;
	p2 =	por !p2, p0  }
0x20: {  	[sflag:s8] =	ssyncset.s32 @!p0 $0xFFFFF086;
	s6 =	sadd.s32 @!p0 s3, s7;
	s7 =	simm.s32 @!p0 $0x108  }
0x21: {  	s3 =	sadd.s32 s3, s9;
	s6 =	sadd.s32 @!p0 $0x88, s6;
	s7 =	simm.s32 @p2 $0x1082  }
0x22: {  	[simem:s7], [sflag:s8] =	dma.local @!p0 [hbm:s6], $0xF7A  }
0x23: {  	s9 =	sor.u32 $0xD0000000, s2;
	s6 =	simm.s32 $0x108;
	_ =	swait.ge @!p0 [sflag:s8], $0x0  }
0x24: {  	s3 =	sadd.s32 $0x88, s3;
	s6 =	simm.s32 @!p1 $0x1082;
	[sflag:s4] =	ssyncset.s32 $0xFFFFF086  }
0x25: {  	[simem:s6], [sflag:s4] =	dma.local [hbm:s3], $0xF7A  }
0x26: {  	[smem:$0x3F9D] =	sst s1;
	(tag) =	ssettag s2;
	_ =	strace s9  }
0x27: {  	s1 =	sld [smem:$0x3FAD]  }
0x28: {  	s2 =	sld [smem:$0x3FAE]  }
0x29: {  	s4 =	sld [smem:$0x3FB0]  }
0x2a: {  	p0 =	seq.s32 s5, $0x0;
	s5 =	sld [smem:$0x3FB1]  }
0x2b: {  	s6 =	sld [smem:$0x3FB2]  }
0x2c: {  	s7 =	sld [smem:$0x3FB3]  }
0x2d: {  	s3 =	simm.s32 $0x108;
	s8 =	sld [smem:$0x3FB4]  }
0x2e: {  	s3 =	simm.s32 @!p0 $0x1082;
	s9 =	sld [smem:$0x3FB5]  }
0x2f: {  	lr =	sadd.s32 s0, s3;
	s0 =	sld [smem:$0x3FAC]  }
0x30: {  	s3 =	sld [smem:$0x3FAF]  }
0x31: {  	[smem:$0x3FB8] =	sst s10  }
0x32: {  	s10 =	sld [smem:$0x3FB6];
	_ =	sdelay $0x3  }
0x33: {  	p0 =	seq.s32 s10, $0x1;
	s10 =	sld [smem:$0x3FB8];
	_ =	sdelay $0x3  }
0x34: {  	[smem:$0x3FB8] =	sst s10  }
0x35: {  	s10 =	sld [smem:$0x3FB7];
	_ =	sdelay $0x3  }
0x36: {  	p1 =	seq.s32 s10, $0x1;
	s10 =	sld [smem:$0x3FB8];
	_ =	sdelay $0x3  }
0x37: {  	[smem:$0x3FB8] =	sst s10  }
0x38: {  	s10 =	sld [smem:$0x3FB9]  }
0x39: {  	_ = 	snop;
	(pc) =	sbr.ind lr, $3  }
0x3a: {  	_ = 	snop  }
0x3b: {  	_ = 	snop  }
0x3c: {  	p2 =	seq.s32 s10, $0x1;
	s10 =	sld [smem:$0x3FB8]  }
0x3d: {  	_ =	shalt  }
0x3e: {  	_ =	shalt  }
0x3f: {  	_ =	shalt  }
0x40: {  	_ =	shalt  }
0x41: {  	_ =	shalt  }
0x42: {  	_ =	shalt  }
0x43: {  	_ =	shalt  }
0x44: {  	_ =	shalt  }
0x45: {  	_ =	shalt  }
0x46: {  	_ =	shalt  }
0x47: {  	_ =	shalt  }
0x48: {  	_ =	shalt  }
0x49: {  	_ =	shalt  }
0x4a: {  	_ =	shalt  }
0x4b: {  	_ =	shalt  }
0x4c: {  	_ =	shalt  }
0x4d: {  	_ =	shalt  }
0x4e: {  	_ =	shalt  }
0x4f: {  	_ =	shalt  }
0x50: {  	_ =	shalt  }
0x51: {  	_ =	shalt  }
0x52: {  	_ =	shalt  }
0x53: {  	_ =	shalt  }
0x54: {  	_ =	shalt  }
0x55: {  	_ =	shalt  }
0x56: {  	_ =	shalt  }
0x57: {  	_ =	shalt  }
0x58: {  	_ =	shalt  }
0x59: {  	_ =	shalt  }
0x5a: {  	_ =	shalt  }
0x5b: {  	_ =	shalt  }
0x5c: {  	_ =	shalt  }
0x5d: {  	_ =	shalt  }
0x5e: {  	_ =	shalt  }
0x5f: {  	_ =	shalt  }
0x60: {  	_ =	shalt  }
0x61: {  	_ =	shalt  }
0x62: {  	_ =	shalt  }
0x63: {  	_ =	shalt  }
0x64: {  	_ =	shalt  }
0x65: {  	_ =	shalt  }
0x66: {  	_ =	shalt  }
0x67: {  	_ =	shalt  }
0x68: {  	_ =	shalt  }
0x69: {  	_ =	shalt  }
0x6a: {  	_ =	shalt  }
0x6b: {  	_ =	shalt  }
0x6c: {  	_ =	shalt  }
0x6d: {  	_ =	shalt  }
0x6e: {  	_ =	shalt  }
0x6f: {  	_ =	shalt  }
0x70: {  	_ =	shalt  }
0x71: {  	_ =	shalt  }
0x72: {  	_ =	shalt  }
0x73: {  	_ =	shalt  }
0x74: {  	_ =	shalt  }
0x75: {  	_ =	shalt  }
0x76: {  	_ =	shalt  }
0x77: {  	_ =	shalt  }
0x78: {  	_ =	shalt  }
0x79: {  	_ =	shalt  }
0x7a: {  	_ =	shalt  }
0x7b: {  	_ =	shalt  }
0x7c: {  	_ =	shalt  }
0x7d: {  	_ =	shalt  }
0x7e: {  	_ =	shalt  }
0x7f: {  	_ =	shalt  }
0x80: {  	_ =	shalt  }
0x81: {  	_ =	shalt  }
0x82: {  	_ =	shalt  }
0x83: {  	_ =	shalt  }
0x84: {  	_ =	shalt  }
0x85: {  	_ =	shalt  }
0x86: {  	_ =	shalt  }
0x87: {  	_ =	shalt  }
.Lfunc_end0:
.L_simem_size_0:
called_computation_lowered:
.L_overlay_start_0:
0x88: {  	s2 =	sld [smem:$0x3FD9]  }
0x89: {  	s3 =	sld [smem:$0x3FFE];
	_ =	sdelay $0x1  }
0x8a: {  	s1 =	srdreg.scid  }
0x8b: {  	s0 =	sand.u32 $0x1, s1  }
0x8c: {  	s17 =	sshll.u32 s0, $0xA;
	s2 =	sadd.s32 s3, s2  }
0x8d: {  	s2 =	sadd.s32 s2, s17  }
0x8e: {  	[smem:$0x3FC4] =	sst s2  }
0x8f: {  	_ = 	snop  }
0x90: {  	s2 =	sld [smem:$0x3FC9]  }
0x91: {  	s18 =	sld [smem:$0x3FC8];
	(tm) =	ssettm $0x1  }
0x92: {  	s4 =	sld [smem:$0x3FFB];
	_ =	sdelay $0x3  }
0x93: {  	_ =	strace s4  }
0x94: {  	s4 =	sld [smem:$0x3FFC];
	_ =	sdelay $0x3  }
0x95: {  	_ =	strace s4  }
0x96: {  	s4 =	sld [smem:$0x3FFD];
	_ =	sdelay $0x3  }
0x97: {  	_ =	strace s4  }
0x98: {  	_ =	strace $0x8FFFFFFF  }
0x99: {  	s19 =	sld [smem:$0x3FDB];
	_ =	sdelay $0x1  }
0x9a: {  	s5 =	simm.s32 $_scs_section_size  }
0x9b: {  	s6 =	simm.s32 $_size__tile_overlayer_lowered;
	s7 =	simm.s32 $_tile_overlayer_lowered  }
0x9c: {  	s22 =	simm.s32 $0x1BFF;
	s21 =	sshll.u32 s7, $0x1;
	s4 =	sadd.s32 s5, s19  }
0x9d: {  	s8 =	simm.s32 $0x0;
	s20 =	sshll.u32 s6, $0x1;
	s6 =	sadd.s32 s21, s4  }
0x9e: {  	[timem:s8], [sflag:s22] =	dma.local [hbm:s6], s20  }
0x9f: {  	_ =	swait.ge [sflag:s22], s20  }
0xa0: {  	s5 =	ssub.s32 $0x0, s20;
	[sflag:s22] =	ssyncset.done $0x0  }
0xa1: {  	[sflag:s22] =	ssyncadd.s32 s5;
	_ =	sdelay $0x1  }
0xa2: {  	s23 =	simm.s32 $0x1B8B  }
0xa3: {  	_ =	swait.ge [sflag:s23], $0x1  }
0xa4: {  	[sflag:s23] =	ssyncset.done $0x0  }
0xa5: {  	s25 =	simm.s32 $0x1B8E;
	s24 =	sld [smem:$0x3FFE];
	[sflag:s23] =	ssyncadd.s32 $0xFFFFFFFF  }
0xa6: {  	s26 =	simm.s32 $execute0_lowered;
	[smem:$0x3FD2] =	sst s25  }
0xa7: {  	s6 =	sshll.u32 s26, $0x1;
	_ =	strace $0x80000046;
	[dreg:$0x1] =	wrdreg $0xFFFFFFFF  }
0xa8: {  	s28 =	simm.s32 $_size_execute0_lowered;
	s4 =	sadd.s32 s4, s6;
	[dreg:$0x0] =	wrdreg $0x0  }
0xa9: {  	s6 =	sshll.u32 s28, $0x1;
	[dreg:$0x2] =	wrdreg s4  }
0xaa: {  	[dreg:$0x3] =	wrdreg s6  }
0xab: {  	[dreg:$0x4] =	wrdreg $0xC0  }
0xac: {  	_ =	task [dreg:s8], $0x5FFFF  }
0xad: {  	[dreg:$0x1] =	wrdreg $0xFFFFFFFF  }
0xae: {  	[dreg:$0x0] =	wrdreg $0x60  }
0xaf: {  	[dreg:$0x2] =	wrdreg s2  }
0xb0: {  	[dreg:$0x3] =	wrdreg s18  }
0xb1: {  	[dreg:$0x4] =	wrdreg s24  }
0xb2: {  	[dreg:$0x5] =	wrdreg $0x9  }
0xb3: {  	_ =	task.clear_ibuf [dreg:s8], $0x6FFFF;
	_ =	strace $0x90000046  }
0xb4: {  	s29 =	simm.s32 $0x9;
	_ =	strace $0x80000048  }
0xb5: {  	_ =	swait.ge [sflag:s29], $0x1  }
0xb6: {  	[sflag:s29] =	ssyncadd.s32 $0xFFFFFFFF  }
0xb7: {  	_ =	strace $0x90000048  }
0xb8: {  	_ =	sfence  }
0xb9: {  	s30 =	sld [smem:$0x0];
	_ =	sdelay $0x2  }
0xba: {  	s31 =	sshll.u32 s1, $0xD;
	s1 =	sshrl.u32 s1, $0x2  }
0xbb: {  	s3 =	sand.u32 $0x4000, s31;
	s1 =	sadd.s32 s1, s30  }
0xbc: {  	s0 =	sor.u32 s3, s0;
	s1 =	sshll.u32 s1, $0x11  }
0xbd: {  	s0 =	sor.u32 s1, s0  }
0xbe: {  	s0 =	sadd.s32 $0x8F2B, s0  }
0xbf: {  	[sflag:s0] =	ssyncadd.remote.s32 $0x1  }
0xc0: {  	_ =	sfence.sel $0xFFFF  }
0xc1: {  	[dreg:$0x0] =	wrdreg $0xFFFFFFFF;
	(pc) =	sbr.abs _section_cstart, $3  }
0xc2: {  	[dreg:$0x1] =	wrdreg $0xFFFFFFFF  }
0xc3: {  	_ =	task.clear_ibuf [dreg:s8], $0x2FFFF;
	_ =	strace $0x9FFFFFFF  }
0xc4: {  	(tm) =	ssettm $0x7FFFFFFF  }
0xc5: {  	_ =	shalt  }
tec
execute0_lowered:
.L_overlay_start_1:
0x0: {  	(tag) =	ssettag $0x1  }
0x1: {  	s0 =	srdreg.scid  }
0x2: {  	s10 =	stileid.u32;
	s3 =	rddreg [dreg:$0x1]  }
0x3: {  	s2 =	rddreg [dreg:$0x2];
	s4 =	simm.s32 $0x0;
	s9 =	simm.s32 $0xCC  }
0x4: {  	s28 =	simm.s32 $0x2;
	s0 =	sand.u32 $0x1, s0;
	s1 =	sshll.u32 s10, $0x1  }
0x5: {  	s31 =	simm.s32 $0x0;
	[smem:$0x7FF] =	sst s4;
	s1 =	sor.u32 s0, s1  }
0x6: {  	_ =	strace $0x80000047;
	s7 =	ssub.s32 $0x2, s0;
	s0 =	smul.u32 $0x6580, s0  }
0x7: {  	s5 =	smul.u32 $0xCB, s1;
	s6 =	smin.u32 s1, $0x5;
	p0 =	slt.u32 s1, $0x5  }
0x8: {  	s1 =	sshll.u32 s1, $0x4;
	s11 =	sshrl.u32 s7, $0x1;
	s9 =	simm.s32 @!p0 $0xCB  }
0x9: {  	s1 =	sadd.s32 s1, s2;
	s13 =	ssub.s32 s7, s11;
	s11 =	smul.u32 $0xCB00, s10  }
0xa: {  	s5 =	sadd.s32 s6, s5;
	s15 =	sadd.s32 s6, s9;
	s19 =	sadd.s32 $0x1000, s1  }
0xb: {  	s6 =	sshll.u32 s6, $0x7;
	s20 =	sadd.s32 $0x1200, s1;
	[dreg:$0x6] =	wrdreg s19  }
0xc: {  	s25 =	smax.u32 s13, $0x1;
	s5 =	sadd.s32 $0x520, s5;
	[dreg:$0x7] =	wrdreg s20  }
0xd: {  	s0 =	sadd.s32 s0, s11;
	[dreg:$0xa] =	wrdreg s25;
	s8 =	sadd.s32 s9, s5  }
0xe: {  	s25 =	simm.s32 $0x8000;
	s5 =	sshll.u32 s5, $0x7;
	s8 =	sshll.u32 s8, $0x7  }
0xf: {  	s6 =	sadd.s32 s6, s0;
	s7 =	sadd.s32 $0x800, s5;
	s8 =	sadd.s32 $0xFFFFF800, s8  }
0x10: {  	s10 =	sadd.s32 $0x1000, s5;
	s11 =	sadd.s32 $0x1800, s5;
	s12 =	smin.u32 s5, s8  }
0x11: {  	s16 =	sadd.s32 $0x6000, s5;
	s14 =	smin.u32 s7, s8;
	s2 =	sadd.s32 s3, s12  }
0x12: {  	s17 =	sadd.s32 $0x2F000, s6;
	[dreg:$0x4] =	wrdreg s2;
	s2 =	sadd.s32 s3, s14  }
0x13: {  	s21 =	sadd.s32 $0x29000, s6;
	[dreg:$0x5] =	wrdreg s2;
	s2 =	sshll.u32 s15, $0x7  }
0x14: {  	s23 =	sadd.s32 $0x29800, s6;
	[dreg:$0x8] =	wrdreg s21;
	s0 =	sadd.s32 s2, s0  }
0x15: {  	[dreg:$0x9] =	wrdreg s23;
	s18 =	smin.u32 s16, s8;
	s12 =	sadd.s32 $0x28800, s0  }
0x16: {  	s23 =	simm.s32 $0x4000;
	p0 =	slt.u32 s18, $0xF3A41;
	s14 =	smin.u32 s17, s12  }
0x17: {  	s22 =	sadd.s32 $0xFFF0C5C0, s14;
	s24 =	sshll.u32 s14, $0x3;
	s30 =	ssub.s32 $0xF4240, s14  }
0x18: {  	s1 =	sshrl.u32 s22, $0x4;
	s29 =	ssub.s32 $0x7A1200, s24;
	[dreg:$0xd] =	wrdreg s30  }
0x19: {  	v0 =	vlaneseq.u32;
	s2 =	simm.s32 $0x3;
	s26 =	ssub.s32 $0x0, s1;
	[dreg:$0xc] =	wrdreg s29  }
0x1a: {  	v2 =	vimm.f32 $+Inf;
	v1 =	vor.u32 s18, v0;
	s24 =	simm.s32 $0x7A1400;
	[dreg:$0xb] =	wrdreg s26;
	s26 =	simm.s32 $0x1  }
.LBB2_1:
0x1b: {  	s0 =	rddreg [dreg:$0x0];
	s1 =	simm.s32 $0x10000  }
0x1c: {  	[tilespmem:s1], [sflag:$0x3] =	stream.linear.gather [hbm4b:s0+s4], $0x80, $0x38;
	[tilespmem:$0x10180] =	vst v63  }
0x1d: {  	_ =	swait.ge [sflag:s2], $0x80  }
0x1e: {  	[sflag:s2] =	ssyncset.done $0x0  }
0x1f: {  	[sflag:s2] =	ssyncadd.s32 $0xFFFFFF80  }
0x20: {  	v18 =	vld [tilespmem:$0x10000];
	_ =	sdelay $0x4  }
0x21: {  	v3 =	vbroadcast v18, $0x0;
	v9 =	vbroadcast v18, $0x1  }
0x22: {  	v6 =	vbroadcast v18, $0x2;
	v4 =	vbroadcast v18, $0x3  }
0x23: {  	s29 =	rddreg [dreg:$0x4];
	v11 =	vbroadcast v18, $0x4;
	v10 =	vbroadcast v18, $0x5  }
0x24: {  	s30 =	rddreg [dreg:$0x5];
	v8 =	vbroadcast v18, $0x6;
	v13 =	vbroadcast v18, $0x7  }
0x25: {  	s16 =	rddreg [dreg:$0x9];
	v7 =	vbroadcast v18, $0x8;
	v12 =	vbroadcast v18, $0x9  }
0x26: {  	[tilespmem:s4], [sflag:$0x1] =	stream.strided.gather [hbm4b:s29+s23], $0x8000, s24, s23, $0x38;
	v14 =	vbroadcast v18, $0xA;
	v5 =	vbroadcast v18, $0xB;
	[tilespmem:$0x10180] =	vst v63  }
0x27: {  	v19 =	vimm.s32 $0x0;
	s1 =	simm.s32 $0x0;
	s15 =	rddreg [dreg:$0x8];
	v15 =	vbroadcast v18, $0xC;
	v16 =	vbroadcast v18, $0xD  }
0x28: {  	v20 =	vimm.f32 $+Inf;
	[tilespmem:s25], [sflag:$0x2] =	stream.strided.gather [hbm4b:s30+s23], $0x8000, s24, s23, $0x38;
	v17 =	vbroadcast v18, $0xE;
	v18 =	vbroadcast v18, $0xF;
	[tilespmem:$0x10180] =	vst v63  }
.LBB2_2:
0x29: {  	s21 =	sshll.u32 s1, $0xC  }
0x2a: {  	s9 =	sadd.s32 s5, s21  }
0x2b: {  	s6 =	smov.u32 s8;
	p1 =	slt.s32 s9, s8  }
0x2c: {  	s6 =	smov.u32 @p1 s9  }
0x2d: {  	p1 =	slt.s32 s6, $0xF3A41  }
.Ltmp0:
0x2e: {  	_ = 	snop;
	(pc) =	sbr.rel @p1 .LBB2_6-.Ltmp0, $4  }
0x2f: {  	_ = 	snop  }
0x30: {  	_ =	swait.ge [sflag:s26], $0x8000  }
0x31: {  	[sflag:s26] =	ssyncset.done $0x0  }
0x32: {  	[sflag:s26] =	ssyncadd.s32 $0xFFFF8000  }
0x33: {  	p1 =	slt.s32 s15, s12;
	s13 =	smov.u32 s12  }
0x34: {  	s13 =	smov.u32 @p1 s15  }
0x35: {  	s9 =	sshll.u32 s13, $0x3  }
0x36: {  	s17 =	ssub.s32 $0xF4240, s13;
	s14 =	ssub.s32 $0x7A1200, s9  }
0x37: {  	s30 =	sand.u32 $0x70, s17;
	s18 =	sand.u32 $0xFFFFFC00, s14  }
0x38: {  	s9 =	sor.u32 s30, s18  }
0x39: {  	[tilespmem:s9+$0x4380] =	vst v2  }
0x3a: {  	[tilespmem:s9+$0x0] =	vst v2  }
0x3b: {  	[tilespmem:s9+$0x80] =	vst v2  }
0x3c: {  	[tilespmem:s9+$0x100] =	vst v2  }
0x3d: {  	[tilespmem:s9+$0x180] =	vst v2  }
0x3e: {  	s13 =	sshrl.u32 s13, $0x4;
	[tilespmem:s9+$0x200] =	vst v2  }
0x3f: {  	s13 =	ssub.s32 $0xF000F3A4, s13;
	[tilespmem:s9+$0x280] =	vst v2  }
0x40: {  	s13 =	sadd.s32 $0x1, s13;
	[tilespmem:s9+$0x300] =	vst v2  }
0x41: {  	p1 =	seq.s32 s13, $0x0;
	[tilespmem:s9+$0x380] =	vst v2  }
.Ltmp1:
0x42: {  	[tilespmem:s9+$0x4000] =	vst v2;
	(pc) =	sbr.rel @p1 .LBB2_5-.Ltmp1, $4  }
0x43: {  	[tilespmem:s9+$0x4080] =	vst v2  }
0x44: {  	[tilespmem:s9+$0x4100] =	vst v2  }
0x45: {  	[tilespmem:s9+$0x4180] =	vst v2  }
0x46: {  	s17 =	sadd.s32 $0x10, s17;
	s14 =	sadd.s32 $0x80, s14;
	[tilespmem:s9+$0x4200] =	vst v2  }
.LBB2_4:
0x47: {  	s18 =	sand.u32 $0x70, s17;
	s19 =	sand.u32 $0xFFFFFC00, s14;
	s13 =	sadd.s32 $0x1, s13;
	[tilespmem:s9+$0x4280] =	vst v2  }
0x48: {  	p1 =	seq.s32 s13, $0x0;
	[tilespmem:s9+$0x4300] =	vst v2;
	s9 =	sor.u32 s18, s19  }
0x49: {  	[tilespmem:s9+$0x4380] =	vst v2  }
0x4a: {  	[tilespmem:s9+$0x0] =	vst v2  }
0x4b: {  	[tilespmem:s9+$0x80] =	vst v2  }
0x4c: {  	[tilespmem:s9+$0x100] =	vst v2  }
0x4d: {  	[tilespmem:s9+$0x180] =	vst v2  }
0x4e: {  	[tilespmem:s9+$0x200] =	vst v2  }
0x4f: {  	[tilespmem:s9+$0x280] =	vst v2  }
0x50: {  	[tilespmem:s9+$0x300] =	vst v2  }
0x51: {  	[tilespmem:s9+$0x380] =	vst v2  }
.Ltmp2:
0x52: {  	[tilespmem:s9+$0x4000] =	vst v2;
	(pc) =	sbr.rel @!p1 .LBB2_4-.Ltmp2, $4  }
0x53: {  	[tilespmem:s9+$0x4080] =	vst v2  }
0x54: {  	[tilespmem:s9+$0x4100] =	vst v2  }
0x55: {  	[tilespmem:s9+$0x4180] =	vst v2  }
0x56: {  	s14 =	sadd.s32 $0x80, s14;
	s17 =	sadd.s32 $0x10, s17;
	[tilespmem:s9+$0x4200] =	vst v2  }
.LBB2_5:
0x57: {  	[tilespmem:s9+$0x4280] =	vst v2  }
0x58: {  	[tilespmem:s9+$0x4300] =	vst v2  }
.LBB2_6:
0x59: {  	s29 =	simm.s32 $0x0  }
0x5a: {  	s9 =	sand.u32 $0x70, s29;
	s13 =	sand.u32 $0x3C00, s29  }
0x5b: {  	s9 =	sor.u32 s9, s13  }
0x5c: {  	v21 =	vld [tilespmem:s9+$0x4380]  }
0x5d: {  	v22 =	vld [tilespmem:s9+$0x4300]  }
0x5e: {  	v23 =	vld [tilespmem:s9+$0x4200]  }
0x5f: {  	v24 =	vld [tilespmem:s9+$0x4100]  }
0x60: {  	v25 =	vld [tilespmem:s9+$0x280]  }
0x61: {  	v26 =	vld [tilespmem:s9+$0x4280]  }
0x62: {  	v27 =	vld [tilespmem:s9+$0x80]  }
0x63: {  	v28 =	vld [tilespmem:s9+$0x200]  }
0x64: {  	v30 =	vld [tilespmem:s9+$0x4080]  }
0x65: {  	s18 =	sand.u32 $0x7, s29;
	v31 =	vld [tilespmem:s9+$0x300]  }
0x66: {  	s13 =	sshll.u32 s18, $0x4;
	v32 =	vld [tilespmem:s9+$0x180]  }
0x67: {  	s13 =	sadd.s32 $0x0, s13;
	v34 =	vld [tilespmem:s9+$0x4000];
	v23 =	vsub.f32 v23, v15;
	v21 =	vsub.f32 v21, v18  }
0x68: {  	s30 =	simm.s32 $0x10;
	s19 =	simm.s32 $0x80;
	v35 =	vld [tilespmem:s9+$0x0];
	s13 =	sor.u32 $0x380, s13;
	v22 =	vsub.f32 v22, v17;
	v26 =	vsub.f32 v26, v16  }
0x69: {  	s14 =	sand.u32 $0x70, s30;
	v29 =	vld [tilespmem:s13+$0x0];
	s13 =	sand.u32 $0x3C00, s19;
	v27 =	vsub.f32 v27, v9;
	v24 =	vsub.f32 v24, v14  }
0x6a: {  	v33 =	vld [tilespmem:s9+$0x100];
	s13 =	sor.u32 s14, s13;
	v28 =	vsub.f32 v28, v11;
	v25 =	vsub.f32 v25, v10  }
0x6b: {  	v59 =	vld [tilespmem:s13+$0x4380];
	v31 =	vsub.f32 v31, v8;
	v32 =	vsub.f32 v32, v4  }
0x6c: {  	v36 =	vld [tilespmem:s13+$0x4300];
	v34 =	vsub.f32 v34, v7;
	v21 =	vmul.f32 v21, v21;
	v22 =	vmul.f32 v22, v22  }
0x6d: {  	v35 =	vsub.f32 v35, v3;
	v23 =	vmul.f32 v23, v23;
	v26 =	vmul.f32 v26, v26  }
0x6e: {  	v40 =	vld [tilespmem:s13+$0x80];
	v27 =	vmul.f32 v27, v27;
	v25 =	vmul.f32 v25, v25;
	v21 =	vadd.f32 v21, v22  }
0x6f: {  	v28 =	vmul.f32 v28, v28;
	v22 =	vsub.f32 v29, v13;
	v23 =	vadd.f32 v26, v23;
	v29 =	vld [tilespmem:s9+$0x4180]  }
0x70: {  	v34 =	vmul.f32 v34, v34;
	v26 =	vsub.f32 v30, v12;
	v30 =	vsub.f32 v33, v6  }
0x71: {  	s20 =	simm.s32 $0x1;
	v37 =	vld [tilespmem:s13+$0x4200];
	v33 =	vsub.f32 v59, v18;
	v36 =	vsub.f32 v36, v17;
	v22 =	vmul.f32 v22, v22  }
0x72: {  	s9 =	sand.u32 $0x7, s20;
	v38 =	vadd.f32 v21, v23;
	v23 =	vmul.f32 v30, v30;
	v21 =	vadd.f32 v25, v28;
	v28 =	vld [tilespmem:s13+$0x4280]  }
0x73: {  	v60 =	vld [tilespmem:s13+$0x4100];
	v40 =	vsub.f32 v40, v9;
	s9 =	sshll.u32 s9, $0x4;
	v30 =	vmul.f32 v32, v32;
	v25 =	vmul.f32 v31, v31  }
0x74: {  	v31 =	vmul.f32 v24, v24;
	s9 =	sadd.s32 $0x80, s9;
	v24 =	vld [tilespmem:s13+$0x280];
	v26 =	vmul.f32 v26, v26;
	v29 =	vsub.f32 v29, v5  }
0x75: {  	s9 =	sor.u32 $0x380, s9;
	v39 =	vadd.f32 v30, v23;
	v30 =	vmul.f32 v35, v35;
	v23 =	vadd.f32 v22, v25;
	v22 =	vld [tilespmem:s13+$0x200]  }
0x76: {  	v33 =	vmul.f32 v33, v33;
	v25 =	vsub.f32 v37, v15;
	v62 =	vld [tilespmem:s9+$0x0];
	v61 =	vmul.f32 v29, v29  }
0x77: {  	v36 =	vmul.f32 v36, v36;
	v35 =	vld [tilespmem:s13+$0x100];
	v27 =	vadd.f32 v27, v30;
	v63 =	vsub.f32 v28, v16  }
0x78: {  	p1 =	slt.s32 s16, s12;
	s9 =	smov.u32 s12;
	v41 =	vmul.f32 v25, v25;
	v25 =	vadd.f32 v26, v34;
	v30 =	vld [tilespmem:s13+$0x300];
	v26 =	vadd.f32 v61, v31  }
0x79: {  	v33 =	vadd.f32 v33, v36;
	s9 =	smov.u32 @p1 s16;
	v29 =	vld [tilespmem:s13+$0x4080];
	v28 =	vsub.f32 v60, v14;
	v42 =	vmul.f32 v63, v63  }
0x7a: {  	s22 =	sshrl.u32 s9, $0x4;
	v34 =	vld [tilespmem:s13+$0x4000];
	v32 =	vsub.f32 v22, v11;
	v25 =	vadd.f32 v26, v25  }
0x7b: {  	s14 =	simm.s32 $0x2;
	s17 =	sshll.u32 s9, $0x3;
	s9 =	ssub.s32 $0xF000F3A4, s22;
	v31 =	vld [tilespmem:s13+$0x180];
	v22 =	vor.u32 s6, v0;
	v26 =	vadd.f32 v39, v27;
	v37 =	vadd.f32 v42, v41  }
0x7c: {  	v36 =	vld [tilespmem:s13+$0x0];
	s18 =	ssub.s32 $0x7A1200, s17;
	s17 =	simm.s32 $0x20;
	s6 =	simm.s32 $0x100;
	v27 =	vmul.f32 v40, v40;
	v25 =	vadd.f32 v38, v25;
	v38 =	vsub.f32 v62, v13  }
.LBB2_7:
0x7d: {  	s19 =	sand.u32 $0x7, s14  }
0x7e: {  	s20 =	sand.u32 $0x70, s17;
	s0 =	sand.u32 $0x3C00, s6;
	v24 =	vsub.f32 v24, v10;
	v29 =	vsub.f32 v29, v12;
	s2 =	smov.u32 s17  }
0x7f: {  	v30 =	vsub.f32 v30, v8;
	s22 =	sshll.u32 s19, $0x4;
	s19 =	sadd.s32 $0x10, s17;
	v35 =	vsub.f32 v35, v6;
	v38 =	vmul.f32 v38, v38;
	v39 =	vld [tilespmem:s13+$0x4180];
	s13 =	sor.u32 s20, s0  }
0x80: {  	p1 =	sne.s32 s17, $0x7F0;
	v31 =	vsub.f32 v31, v4;
	s0 =	sadd.s32 s22, s6;
	v40 =	vld [tilespmem:s13+$0x4380];
	v24 =	vmul.f32 v24, v24;
	v34 =	vsub.f32 v34, v7  }
0x81: {  	v32 =	vmul.f32 v32, v32;
	v37 =	vadd.f32 v33, v37;
	s0 =	sor.u32 $0x380, s0;
	v41 =	vld [tilespmem:s13+$0x4300];
	v36 =	vsub.f32 v36, v3  }
0x82: {  	v23 =	vadd.f32 v23, v21;
	v31 =	vmul.f32 v31, v31;
	v35 =	vmul.f32 v35, v35;
	v33 =	vld [tilespmem:s13+$0x4200]  }
0x83: {  	v28 =	vmul.f32 v28, v28;
	v34 =	vmul.f32 v34, v34;
	v21 =	vadd.f32 v24, v32;
	v42 =	vld [tilespmem:s13+$0x4100]  }
0x84: {  	v30 =	vmul.f32 v30, v30;
	v26 =	vadd.f32 v23, v26;
	v43 =	vadd.f32 v31, v35;
	v24 =	vld [tilespmem:s13+$0x280]  }
0x85: {  	v35 =	vmul.f32 v36, v36;
	v36 =	vsub.f32 v39, v5;
	v32 =	vld [tilespmem:s13+$0x4280];
	v31 =	vsub.f32 v40, v18  }
0x86: {  	v23 =	vadd.f32 v38, v30;
	v25 =	vadd.f32 v25, v26;
	v26 =	vadd.s32 s29, v22;
	s29 =	smov.u32 s30;
	s30 =	smov.u32 s2;
	v39 =	vld [tilespmem:s13+$0x80]  }
0x87: {  	v27 =	vadd.f32 v27, v35;
	v38 =	vld [tilespmem:s13+$0x200];
	v30 =	vsub.f32 v33, v15;
	v33 =	vmul.f32 v29, v29  }
0x88: {  	vm0 =	vlt.f32 v25, v20;
	v41 =	vsub.f32 v41, v17;
	v35 =	vmul.f32 v36, v36;
	v40 =	vld [tilespmem:s0+$0x0]  }
0x89: {  	v20 =	vmin.f32 v25, v20;
	v29 =	vld [tilespmem:s13+$0x4080];
	v44 =	vmul.f32 v30, v30;
	v33 =	vadd.f32 v33, v34  }
0x8a: {  	v19 =	vsel vm0, v26, v19;
	v25 =	vmul.f32 v31, v31;
	v34 =	vadd.f32 v35, v28;
	v30 =	vld [tilespmem:s13+$0x300]  }
.Ltmp3:
0x8b: {  	v26 =	vsub.f32 v32, v16;
	v39 =	vsub.f32 v39, v9;
	v31 =	vld [tilespmem:s13+$0x180];
	(pc) =	sbr.rel @p1 .LBB2_7-.Ltmp3, $4  }
0x8c: {  	v41 =	vmul.f32 v41, v41;
	v28 =	vsub.f32 v42, v14;
	v42 =	vadd.f32 v34, v33;
	v35 =	vld [tilespmem:s13+$0x100]  }
0x8d: {  	v32 =	vsub.f32 v38, v11;
	v45 =	vmul.f32 v26, v26;
	v26 =	vadd.f32 v43, v27;
	v34 =	vld [tilespmem:s13+$0x4000]  }
0x8e: {  	v33 =	vadd.f32 v25, v41;
	v25 =	vadd.f32 v37, v42;
	v36 =	vld [tilespmem:s13+$0x0]  }
0x8f: {  	s14 =	sadd.s32 $0x1, s14;
	s6 =	sadd.s32 $0x80, s6;
	s17 =	smov.u32 s19;
	v27 =	vmul.f32 v39, v39;
	v38 =	vsub.f32 v40, v13;
	v37 =	vadd.f32 v45, v44  }
0x90: {  	v39 =	vld [tilespmem:s13+$0x4180];
	v24 =	vsub.f32 v24, v10;
	v29 =	vsub.f32 v29, v12  }
0x91: {  	v30 =	vsub.f32 v30, v8;
	v31 =	vsub.f32 v31, v4  }
0x92: {  	v32 =	vmul.f32 v32, v32;
	v28 =	vmul.f32 v28, v28;
	v21 =	vadd.f32 v23, v21  }
0x93: {  	v35 =	vsub.f32 v35, v6;
	v38 =	vmul.f32 v38, v38;
	v24 =	vmul.f32 v24, v24  }
0x94: {  	v34 =	vsub.f32 v34, v7;
	v31 =	vmul.f32 v31, v31;
	v29 =	vmul.f32 v29, v29  }
0x95: {  	s0 =	sadd.s32 s21, s10;
	v30 =	vmul.f32 v30, v30;
	v36 =	vsub.f32 v36, v3;
	v39 =	vsub.f32 v39, v5  }
0x96: {  	s2 =	smov.u32 s8;
	p1 =	slt.s32 s0, s8;
	v35 =	vmul.f32 v35, v35;
	v34 =	vmul.f32 v34, v34;
	v24 =	vadd.f32 v24, v32  }
0x97: {  	s2 =	smov.u32 @p1 s0;
	v30 =	vadd.f32 v38, v30;
	v62 =	vmul.f32 v36, v36;
	v61 =	vmul.f32 v39, v39  }
0x98: {  	s0 =	sadd.s32 s3, s2;
	v31 =	vadd.f32 v31, v35;
	v29 =	vadd.f32 v29, v34  }
0x99: {  	[tilespmem:s4], [sflag:$0x1] =	stream.strided.gather [hbm4b:s0+s23], $0x8000, s24, s23, $0x38;
	v27 =	vadd.f32 v27, v62;
	v28 =	vadd.f32 v61, v28;
	[tilespmem:$0x10180] =	vst v63  }
0x9a: {  	v33 =	vadd.f32 v33, v37;
	s0 =	sadd.s32 s21, s7;
	v24 =	vadd.f32 v30, v24  }
0x9b: {  	s6 =	smov.u32 s8;
	p1 =	slt.s32 s0, s8;
	v27 =	vadd.f32 v31, v27;
	v23 =	vadd.f32 v28, v29  }
0x9c: {  	v21 =	vadd.f32 v21, v26;
	s6 =	smov.u32 @p1 s0  }
0x9d: {  	p1 =	slt.s32 s6, $0xF3A41;
	v24 =	vadd.f32 v24, v27;
	v23 =	vadd.f32 v33, v23  }
.Ltmp4:
0x9e: {  	v21 =	vadd.f32 v25, v21;
	(pc) =	sbr.rel @p1 .LBB2_12-.Ltmp4, $4  }
0x9f: {  	v23 =	vadd.f32 v23, v24  }
0xa0: {  	v63 =	vadd.s32 s29, v22;
	_ =	swait.ge [sflag:s28], $0x8000;
	vm0 =	vlt.f32 v21, v20;
	v20 =	vmin.f32 v21, v20  }
0xa1: {  	v22 =	vadd.s32 s30, v22;
	[sflag:s28] =	ssyncset.done $0x0;
	v21 =	vsel vm0, v63, v19;
	vm15 =	vlt.f32 v23, v20  }
0xa2: {  	s13 =	simm.s32 $0x8000;
	[sflag:s28] =	ssyncadd.s32 $0xFFFF8000;
	v19 =	vmin.f32 v23, v20;
	v20 =	vsel vm15, v22, v21  }
0xa3: {  	s0 =	sand.u32 $0x3FFFFC00, s18  }
0xa4: {  	s14 =	sadd.s32 s0, s13  }
0xa5: {  	[tilespmem:s14+$0x43C0] =	vst v2  }
0xa6: {  	[tilespmem:s14+$0x40] =	vst v2  }
0xa7: {  	[tilespmem:s14+$0xC0] =	vst v2  }
0xa8: {  	[tilespmem:s14+$0x140] =	vst v2  }
0xa9: {  	[tilespmem:s14+$0x1C0] =	vst v2  }
0xaa: {  	[tilespmem:s14+$0x240] =	vst v2  }
0xab: {  	[tilespmem:s14+$0x2C0] =	vst v2  }
0xac: {  	s9 =	sadd.s32 $0x1, s9;
	[tilespmem:s14+$0x340] =	vst v2  }
0xad: {  	p1 =	seq.s32 s9, $0x0;
	[tilespmem:s14+$0x3C0] =	vst v2  }
.Ltmp5:
0xae: {  	[tilespmem:s14+$0x4040] =	vst v2;
	(pc) =	sbr.rel @p1 .LBB2_11-.Ltmp5, $4  }
0xaf: {  	[tilespmem:s14+$0x40C0] =	vst v2  }
0xb0: {  	[tilespmem:s14+$0x4140] =	vst v2  }
0xb1: {  	[tilespmem:s14+$0x41C0] =	vst v2  }
0xb2: {  	s17 =	sadd.s32 $0x80, s18;
	[tilespmem:s14+$0x4240] =	vst v2  }
.LBB2_10:
0xb3: {  	s0 =	sand.u32 $0x3FFFFC00, s17;
	s9 =	sadd.s32 $0x1, s9;
	[tilespmem:s14+$0x42C0] =	vst v2;
	s13 =	sadd.s32 $0x10, s13  }
0xb4: {  	p1 =	seq.s32 s9, $0x0;
	[tilespmem:s14+$0x4340] =	vst v2;
	s14 =	sadd.s32 s0, s13  }
0xb5: {  	[tilespmem:s14+$0x43C0] =	vst v2  }
0xb6: {  	[tilespmem:s14+$0x40] =	vst v2  }
0xb7: {  	[tilespmem:s14+$0xC0] =	vst v2  }
0xb8: {  	[tilespmem:s14+$0x140] =	vst v2  }
0xb9: {  	[tilespmem:s14+$0x1C0] =	vst v2  }
0xba: {  	[tilespmem:s14+$0x240] =	vst v2  }
0xbb: {  	[tilespmem:s14+$0x2C0] =	vst v2  }
0xbc: {  	[tilespmem:s14+$0x340] =	vst v2  }
0xbd: {  	[tilespmem:s14+$0x3C0] =	vst v2  }
.Ltmp6:
0xbe: {  	[tilespmem:s14+$0x4040] =	vst v2;
	(pc) =	sbr.rel @!p1 .LBB2_10-.Ltmp6, $4  }
0xbf: {  	[tilespmem:s14+$0x40C0] =	vst v2  }
0xc0: {  	[tilespmem:s14+$0x4140] =	vst v2  }
0xc1: {  	[tilespmem:s14+$0x41C0] =	vst v2  }
0xc2: {  	s17 =	sadd.s32 $0x80, s17;
	[tilespmem:s14+$0x4240] =	vst v2  }
.LBB2_11:
0xc3: {  	[tilespmem:s14+$0x42C0] =	vst v2  }
0xc4: {  	[tilespmem:s14+$0x4340] =	vst v2  }
.LBB2_12:
0xc5: {  	s29 =	simm.s32 $0x0  }
0xc6: {  	s0 =	sand.u32 $0x70, s29;
	s2 =	sand.u32 $0x3C00, s29  }
0xc7: {  	s0 =	sor.u32 s0, s2  }
0xc8: {  	v21 =	vld [tilespmem:s0+$0xC380]  }
0xc9: {  	v22 =	vld [tilespmem:s0+$0xC300]  }
0xca: {  	v23 =	vld [tilespmem:s0+$0xC200]  }
0xcb: {  	v24 =	vld [tilespmem:s0+$0xC100]  }
0xcc: {  	v25 =	vld [tilespmem:s0+$0x8280]  }
0xcd: {  	v26 =	vld [tilespmem:s0+$0xC280]  }
0xce: {  	v27 =	vld [tilespmem:s0+$0x8080]  }
0xcf: {  	v28 =	vld [tilespmem:s0+$0x8200]  }
0xd0: {  	v30 =	vld [tilespmem:s0+$0xC080]  }
0xd1: {  	s19 =	sand.u32 $0x7, s29;
	v31 =	vld [tilespmem:s0+$0x8300]  }
0xd2: {  	s2 =	sshll.u32 s19, $0x4;
	v32 =	vld [tilespmem:s0+$0x8180]  }
0xd3: {  	s2 =	sadd.s32 $0x0, s2;
	v34 =	vld [tilespmem:s0+$0xC000];
	v23 =	vsub.f32 v23, v15;
	v21 =	vsub.f32 v21, v18  }
0xd4: {  	s30 =	simm.s32 $0x10;
	s20 =	simm.s32 $0x80;
	v35 =	vld [tilespmem:s0+$0x8000];
	s2 =	sor.u32 $0x380, s2;
	v22 =	vsub.f32 v22, v17;
	v26 =	vsub.f32 v26, v16  }
0xd5: {  	s9 =	sand.u32 $0x70, s30;
	v29 =	vld [tilespmem:s2+$0x8000];
	s2 =	sand.u32 $0x3C00, s20;
	v27 =	vsub.f32 v27, v9;
	v24 =	vsub.f32 v24, v14  }
0xd6: {  	v33 =	vld [tilespmem:s0+$0x8100];
	s9 =	sor.u32 s9, s2;
	v28 =	vsub.f32 v28, v11;
	v25 =	vsub.f32 v25, v10  }
0xd7: {  	v58 =	vld [tilespmem:s9+$0xC380];
	v31 =	vsub.f32 v31, v8;
	v32 =	vsub.f32 v32, v4  }
0xd8: {  	v36 =	vld [tilespmem:s9+$0xC300];
	v34 =	vsub.f32 v34, v7;
	v21 =	vmul.f32 v21, v21;
	v22 =	vmul.f32 v22, v22  }
0xd9: {  	v35 =	vsub.f32 v35, v3;
	v23 =	vmul.f32 v23, v23;
	v26 =	vmul.f32 v26, v26  }
0xda: {  	v40 =	vld [tilespmem:s9+$0x8080];
	v27 =	vmul.f32 v27, v27;
	v25 =	vmul.f32 v25, v25;
	v21 =	vadd.f32 v21, v22  }
0xdb: {  	v28 =	vmul.f32 v28, v28;
	v22 =	vsub.f32 v29, v13;
	v23 =	vadd.f32 v26, v23;
	v29 =	vld [tilespmem:s0+$0xC180]  }
0xdc: {  	v34 =	vmul.f32 v34, v34;
	v26 =	vsub.f32 v30, v12;
	v30 =	vsub.f32 v33, v6  }
0xdd: {  	v37 =	vld [tilespmem:s9+$0xC200];
	v33 =	vsub.f32 v58, v18;
	v36 =	vsub.f32 v36, v17;
	v22 =	vmul.f32 v22, v22  }
0xde: {  	s22 =	simm.s32 $0x1;
	v38 =	vadd.f32 v21, v23;
	v23 =	vmul.f32 v30, v30;
	v21 =	vadd.f32 v25, v28;
	v28 =	vld [tilespmem:s9+$0xC280]  }
0xdf: {  	v59 =	vld [tilespmem:s9+$0xC100];
	s0 =	sand.u32 $0x7, s22;
	v40 =	vsub.f32 v40, v9;
	v30 =	vmul.f32 v32, v32;
	v25 =	vmul.f32 v31, v31  }
0xe0: {  	s0 =	sshll.u32 s0, $0x4;
	v31 =	vmul.f32 v24, v24;
	v24 =	vld [tilespmem:s9+$0x8280];
	v26 =	vmul.f32 v26, v26;
	v29 =	vsub.f32 v29, v5  }
0xe1: {  	s0 =	sadd.s32 $0x80, s0;
	v39 =	vadd.f32 v30, v23;
	v30 =	vmul.f32 v35, v35;
	v23 =	vadd.f32 v22, v25;
	v22 =	vld [tilespmem:s9+$0x8200]  }
0xe2: {  	v63 =	vmul.f32 v36, v36;
	v36 =	vld [tilespmem:s9+$0x8100];
	s0 =	sor.u32 $0x380, s0;
	v25 =	vsub.f32 v37, v15;
	v60 =	vmul.f32 v29, v29  }
0xe3: {  	v33 =	vmul.f32 v33, v33;
	v61 =	vld [tilespmem:s0+$0x8000];
	v27 =	vadd.f32 v27, v30;
	v62 =	vsub.f32 v28, v16  }
0xe4: {  	v41 =	vmul.f32 v25, v25;
	v25 =	vadd.f32 v26, v34;
	v30 =	vld [tilespmem:s9+$0x8300];
	v26 =	vadd.f32 v60, v31  }
0xe5: {  	v33 =	vadd.f32 v33, v63;
	v29 =	vld [tilespmem:s9+$0xC080];
	v28 =	vsub.f32 v59, v14;
	v42 =	vmul.f32 v62, v62  }
0xe6: {  	v34 =	vld [tilespmem:s9+$0xC000];
	v32 =	vsub.f32 v22, v11;
	v25 =	vadd.f32 v26, v25  }
0xe7: {  	v31 =	vld [tilespmem:s9+$0x8180];
	v22 =	vor.u32 s6, v0;
	v26 =	vadd.f32 v39, v27;
	v37 =	vadd.f32 v42, v41  }
0xe8: {  	s17 =	simm.s32 $0x20;
	s13 =	simm.s32 $0x2;
	v35 =	vld [tilespmem:s9+$0x8000];
	s6 =	simm.s32 $0x100;
	v27 =	vmul.f32 v40, v40;
	v25 =	vadd.f32 v38, v25;
	v38 =	vsub.f32 v61, v13  }
.LBB2_13:
0xe9: {  	s0 =	sand.u32 $0x7, s13  }
0xea: {  	s2 =	sand.u32 $0x70, s17;
	s18 =	sand.u32 $0x3C00, s6;
	v24 =	vsub.f32 v24, v10;
	v29 =	vsub.f32 v29, v12;
	s19 =	smov.u32 s17  }
0xeb: {  	s14 =	sadd.s32 $0x10, s17;
	v30 =	vsub.f32 v30, v8;
	s0 =	sshll.u32 s0, $0x4;
	v36 =	vsub.f32 v36, v6;
	v38 =	vmul.f32 v38, v38;
	v39 =	vld [tilespmem:s9+$0xC180];
	s9 =	sor.u32 s2, s18  }
0xec: {  	p1 =	sne.s32 s17, $0x7F0;
	v31 =	vsub.f32 v31, v4;
	s0 =	sadd.s32 s0, s6;
	v40 =	vld [tilespmem:s9+$0xC380];
	v24 =	vmul.f32 v24, v24;
	v34 =	vsub.f32 v34, v7  }
0xed: {  	v32 =	vmul.f32 v32, v32;
	v37 =	vadd.f32 v33, v37;
	s0 =	sor.u32 $0x380, s0;
	v41 =	vld [tilespmem:s9+$0xC300];
	v35 =	vsub.f32 v35, v3  }
0xee: {  	v23 =	vadd.f32 v23, v21;
	v31 =	vmul.f32 v31, v31;
	v36 =	vmul.f32 v36, v36;
	v33 =	vld [tilespmem:s9+$0xC200]  }
0xef: {  	v28 =	vmul.f32 v28, v28;
	v34 =	vmul.f32 v34, v34;
	v21 =	vadd.f32 v24, v32;
	v42 =	vld [tilespmem:s9+$0xC100]  }
0xf0: {  	v30 =	vmul.f32 v30, v30;
	v26 =	vadd.f32 v23, v26;
	v43 =	vadd.f32 v31, v36;
	v24 =	vld [tilespmem:s9+$0x8280]  }
0xf1: {  	v35 =	vmul.f32 v35, v35;
	v36 =	vsub.f32 v39, v5;
	v32 =	vld [tilespmem:s9+$0xC280];
	v31 =	vsub.f32 v40, v18  }
0xf2: {  	v23 =	vadd.f32 v38, v30;
	v25 =	vadd.f32 v25, v26;
	v26 =	vadd.s32 s29, v22;
	s29 =	smov.u32 s30;
	s30 =	smov.u32 s19;
	v39 =	vld [tilespmem:s9+$0x8080]  }
0xf3: {  	v27 =	vadd.f32 v27, v35;
	v38 =	vld [tilespmem:s9+$0x8200];
	v30 =	vsub.f32 v33, v15;
	v33 =	vmul.f32 v29, v29  }
0xf4: {  	vm0 =	vlt.f32 v25, v19;
	v35 =	vsub.f32 v41, v17;
	v36 =	vmul.f32 v36, v36;
	v40 =	vld [tilespmem:s0+$0x8000]  }
0xf5: {  	v19 =	vmin.f32 v25, v19;
	v29 =	vld [tilespmem:s9+$0xC080];
	v41 =	vmul.f32 v30, v30;
	v33 =	vadd.f32 v33, v34  }
0xf6: {  	v20 =	vsel vm0, v26, v20;
	v25 =	vmul.f32 v31, v31;
	v34 =	vadd.f32 v36, v28;
	v30 =	vld [tilespmem:s9+$0x8300]  }
.Ltmp7:
0xf7: {  	v26 =	vsub.f32 v32, v16;
	v39 =	vsub.f32 v39, v9;
	v31 =	vld [tilespmem:s9+$0x8180];
	(pc) =	sbr.rel @p1 .LBB2_13-.Ltmp7, $4  }
0xf8: {  	v28 =	vsub.f32 v42, v14;
	v42 =	vmul.f32 v35, v35;
	v44 =	vadd.f32 v34, v33;
	v36 =	vld [tilespmem:s9+$0x8100]  }
0xf9: {  	v32 =	vsub.f32 v38, v11;
	v45 =	vmul.f32 v26, v26;
	v26 =	vadd.f32 v43, v27;
	v34 =	vld [tilespmem:s9+$0xC000]  }
0xfa: {  	v33 =	vadd.f32 v25, v42;
	v25 =	vadd.f32 v37, v44;
	v35 =	vld [tilespmem:s9+$0x8000]  }
0xfb: {  	s13 =	sadd.s32 $0x1, s13;
	s17 =	smov.u32 s14;
	s6 =	sadd.s32 $0x80, s6;
	v27 =	vmul.f32 v39, v39;
	v38 =	vsub.f32 v40, v13;
	v37 =	vadd.f32 v45, v41  }
0xfc: {  	v39 =	vld [tilespmem:s9+$0xC180];
	v24 =	vsub.f32 v24, v10;
	v29 =	vsub.f32 v29, v12  }
0xfd: {  	v30 =	vsub.f32 v30, v8;
	v31 =	vsub.f32 v31, v4  }
0xfe: {  	v32 =	vmul.f32 v32, v32;
	v28 =	vmul.f32 v28, v28;
	v21 =	vadd.f32 v23, v21  }
0xff: {  	v36 =	vsub.f32 v36, v6;
	v38 =	vmul.f32 v38, v38;
	v24 =	vmul.f32 v24, v24  }
0x100: {  	v34 =	vsub.f32 v34, v7;
	v31 =	vmul.f32 v31, v31;
	v29 =	vmul.f32 v29, v29  }
0x101: {  	v30 =	vmul.f32 v30, v30;
	v35 =	vsub.f32 v35, v3;
	v39 =	vsub.f32 v39, v5  }
0x102: {  	v36 =	vmul.f32 v36, v36;
	v34 =	vmul.f32 v34, v34;
	v24 =	vadd.f32 v24, v32  }
0x103: {  	v30 =	vadd.f32 v38, v30;
	v35 =	vmul.f32 v35, v35;
	v62 =	vmul.f32 v39, v39  }
0x104: {  	v31 =	vadd.f32 v31, v36;
	v29 =	vadd.f32 v29, v34  }
0x105: {  	v27 =	vadd.f32 v27, v35;
	v28 =	vadd.f32 v62, v28  }
0x106: {  	v33 =	vadd.f32 v33, v37;
	v24 =	vadd.f32 v30, v24  }
0x107: {  	v27 =	vadd.f32 v31, v27;
	v23 =	vadd.f32 v28, v29  }
0x108: {  	v21 =	vadd.f32 v21, v26  }
0x109: {  	p1 =	seq.s32 s1, $0x5;
	v24 =	vadd.f32 v24, v27;
	v23 =	vadd.f32 v33, v23  }
.Ltmp8:
0x10a: {  	v21 =	vadd.f32 v25, v21;
	(pc) =	sbr.rel @p1 .LBB2_16-.Ltmp8, $4  }
0x10b: {  	v23 =	vadd.f32 v23, v24  }
0x10c: {  	v63 =	vadd.s32 s29, v22;
	vm0 =	vlt.f32 v21, v19;
	v19 =	vmin.f32 v21, v19  }
0x10d: {  	v22 =	vadd.s32 s30, v22;
	v21 =	vsel vm0, v63, v20;
	vm15 =	vlt.f32 v23, v19  }
0x10e: {  	v20 =	vmin.f32 v23, v19;
	v19 =	vsel vm15, v22, v21  }
.Ltmp9:
0x10f: {  	s0 =	sadd.s32 s21, s11;
	(pc) =	sbr.rel .LBB2_2-.Ltmp9, $4  }
0x110: {  	s2 =	smov.u32 s8;
	p1 =	slt.s32 s0, s8  }
0x111: {  	s1 =	sadd.s32 $0x1, s1;
	s2 =	smov.u32 @p1 s0  }
0x112: {  	s15 =	sadd.s32 $0x1000, s15;
	s16 =	sadd.s32 $0x1000, s16;
	s0 =	sadd.s32 s3, s2  }
0x113: {  	[tilespmem:s25], [sflag:$0x2] =	stream.strided.gather [hbm4b:s0+s23], $0x8000, s24, s23, $0x38;
	[tilespmem:$0x10180] =	vst v63  }
.LBB2_16:
.Ltmp10:
0x114: {  	(pc) =	sbr.rel @p0 .LBB2_20-.Ltmp10, $4  }
0x115: {  	_ = 	snop  }
0x116: {  	_ =	swait.ge [sflag:s26], $0x8000  }
0x117: {  	[sflag:s26] =	ssyncset.done $0x0  }
0x118: {  	[sflag:s26] =	ssyncadd.s32 $0xFFFF8000  }
0x119: {  	s13 =	rddreg [dreg:$0xd]  }
0x11a: {  	s2 =	rddreg [dreg:$0xc]  }
0x11b: {  	s0 =	sand.u32 $0x70, s13;
	s1 =	sand.u32 $0xFFFFFC00, s2  }
0x11c: {  	s1 =	sor.u32 s0, s1  }
0x11d: {  	[tilespmem:s1+$0x4380] =	vst v2  }
0x11e: {  	[tilespmem:s1+$0x0] =	vst v2  }
0x11f: {  	[tilespmem:s1+$0x80] =	vst v2  }
0x120: {  	[tilespmem:s1+$0x100] =	vst v2  }
0x121: {  	[tilespmem:s1+$0x180] =	vst v2  }
0x122: {  	[tilespmem:s1+$0x200] =	vst v2  }
0x123: {  	s30 =	rddreg [dreg:$0xb];
	[tilespmem:s1+$0x280] =	vst v2  }
0x124: {  	s6 =	sadd.s32 $0x1, s30;
	[tilespmem:s1+$0x300] =	vst v2  }
0x125: {  	p1 =	seq.s32 s6, $0x0;
	[tilespmem:s1+$0x380] =	vst v2  }
.Ltmp11:
0x126: {  	[tilespmem:s1+$0x4000] =	vst v2;
	(pc) =	sbr.rel @p1 .LBB2_19-.Ltmp11, $4  }
0x127: {  	[tilespmem:s1+$0x4080] =	vst v2  }
0x128: {  	[tilespmem:s1+$0x4100] =	vst v2  }
0x129: {  	[tilespmem:s1+$0x4180] =	vst v2  }
0x12a: {  	s9 =	sadd.s32 $0x80, s2;
	s13 =	sadd.s32 $0x10, s13;
	[tilespmem:s1+$0x4200] =	vst v2  }
.LBB2_18:
0x12b: {  	s0 =	sand.u32 $0x70, s13;
	s2 =	sand.u32 $0xFFFFFC00, s9;
	s6 =	sadd.s32 $0x1, s6;
	[tilespmem:s1+$0x4280] =	vst v2  }
0x12c: {  	p1 =	seq.s32 s6, $0x0;
	[tilespmem:s1+$0x4300] =	vst v2;
	s1 =	sor.u32 s0, s2  }
0x12d: {  	[tilespmem:s1+$0x4380] =	vst v2  }
0x12e: {  	[tilespmem:s1+$0x0] =	vst v2  }
0x12f: {  	[tilespmem:s1+$0x80] =	vst v2  }
0x130: {  	[tilespmem:s1+$0x100] =	vst v2  }
0x131: {  	[tilespmem:s1+$0x180] =	vst v2  }
0x132: {  	[tilespmem:s1+$0x200] =	vst v2  }
0x133: {  	[tilespmem:s1+$0x280] =	vst v2  }
0x134: {  	[tilespmem:s1+$0x300] =	vst v2  }
0x135: {  	[tilespmem:s1+$0x380] =	vst v2  }
.Ltmp12:
0x136: {  	[tilespmem:s1+$0x4000] =	vst v2;
	(pc) =	sbr.rel @!p1 .LBB2_18-.Ltmp12, $4  }
0x137: {  	[tilespmem:s1+$0x4080] =	vst v2  }
0x138: {  	[tilespmem:s1+$0x4100] =	vst v2  }
0x139: {  	[tilespmem:s1+$0x4180] =	vst v2  }
0x13a: {  	s9 =	sadd.s32 $0x80, s9;
	s13 =	sadd.s32 $0x10, s13;
	[tilespmem:s1+$0x4200] =	vst v2  }
.LBB2_19:
0x13b: {  	[tilespmem:s1+$0x4280] =	vst v2  }
0x13c: {  	[tilespmem:s1+$0x4300] =	vst v2  }
.LBB2_20:
0x13d: {  	s1 =	simm.s32 $0x0  }
0x13e: {  	s0 =	sand.u32 $0x70, s1;
	s2 =	sand.u32 $0x3C00, s1  }
0x13f: {  	s0 =	sor.u32 s0, s2  }
0x140: {  	v21 =	vld [tilespmem:s0+$0x4380]  }
0x141: {  	v22 =	vld [tilespmem:s0+$0x4300]  }
0x142: {  	v23 =	vld [tilespmem:s0+$0x4200]  }
0x143: {  	v24 =	vld [tilespmem:s0+$0x4100]  }
0x144: {  	v25 =	vld [tilespmem:s0+$0x280]  }
0x145: {  	v26 =	vld [tilespmem:s0+$0x4280]  }
0x146: {  	v27 =	vld [tilespmem:s0+$0x80]  }
0x147: {  	v28 =	vld [tilespmem:s0+$0x200]  }
0x148: {  	s22 =	sand.u32 $0x7, s1;
	v30 =	vld [tilespmem:s0+$0x4080]  }
0x149: {  	s2 =	sshll.u32 s22, $0x4;
	v31 =	vld [tilespmem:s0+$0x300]  }
0x14a: {  	s2 =	sadd.s32 $0x0, s2;
	v32 =	vld [tilespmem:s0+$0x180];
	v23 =	vsub.f32 v23, v15;
	v21 =	vsub.f32 v21, v18  }
0x14b: {  	v34 =	vld [tilespmem:s0+$0x4000];
	s2 =	sor.u32 $0x380, s2;
	v22 =	vsub.f32 v22, v17;
	v26 =	vsub.f32 v26, v16  }
0x14c: {  	s15 =	simm.s32 $0x10;
	s29 =	simm.s32 $0x80;
	v29 =	vld [tilespmem:s2+$0x0];
	v27 =	vsub.f32 v27, v9;
	v24 =	vsub.f32 v24, v14  }
0x14d: {  	s6 =	sand.u32 $0x70, s15;
	v33 =	vld [tilespmem:s0+$0x100];
	s2 =	sand.u32 $0x3C00, s29;
	v28 =	vsub.f32 v28, v11;
	v25 =	vsub.f32 v25, v10  }
0x14e: {  	v35 =	vld [tilespmem:s0+$0x0];
	s6 =	sor.u32 s6, s2;
	v31 =	vsub.f32 v31, v8;
	v21 =	vmul.f32 v21, v21;
	v22 =	vmul.f32 v22, v22  }
0x14f: {  	v55 =	vld [tilespmem:s6+$0x4380];
	v32 =	vsub.f32 v32, v4;
	v23 =	vmul.f32 v23, v23;
	v26 =	vmul.f32 v26, v26  }
0x150: {  	v34 =	vsub.f32 v34, v7;
	v27 =	vmul.f32 v27, v27;
	v21 =	vadd.f32 v21, v22  }
0x151: {  	v36 =	vld [tilespmem:s6+$0x4300];
	v25 =	vmul.f32 v25, v25;
	v22 =	vsub.f32 v29, v13;
	v23 =	vadd.f32 v26, v23  }
0x152: {  	v28 =	vmul.f32 v28, v28;
	v26 =	vsub.f32 v30, v12;
	v29 =	vld [tilespmem:s0+$0x4180];
	v30 =	vsub.f32 v33, v6  }
0x153: {  	v37 =	vld [tilespmem:s6+$0x4200];
	v35 =	vsub.f32 v35, v3;
	v34 =	vmul.f32 v34, v34;
	v24 =	vmul.f32 v24, v24  }
0x154: {  	s30 =	simm.s32 $0x1;
	v56 =	vld [tilespmem:s6+$0x4100];
	v33 =	vsub.f32 v55, v18;
	v38 =	vadd.f32 v21, v23;
	v23 =	vmul.f32 v30, v30  }
0x155: {  	s0 =	sand.u32 $0x7, s30;
	v30 =	vmul.f32 v32, v32;
	v21 =	vadd.f32 v25, v28;
	v25 =	vmul.f32 v31, v31;
	v31 =	vld [tilespmem:s6+$0x4280]  }
0x156: {  	v36 =	vsub.f32 v36, v17;
	s0 =	sshll.u32 s0, $0x4;
	v22 =	vmul.f32 v22, v22;
	v59 =	vmul.f32 v33, v33;
	v33 =	vld [tilespmem:s6+$0x4000]  }
0x157: {  	s0 =	sadd.s32 $0x80, s0;
	v26 =	vmul.f32 v26, v26;
	v39 =	vadd.f32 v30, v23;
	v30 =	vld [tilespmem:s6+$0x80];
	v28 =	vsub.f32 v29, v5  }
0x158: {  	v62 =	vmul.f32 v36, v36;
	s0 =	sor.u32 $0x380, s0;
	v22 =	vadd.f32 v22, v25;
	v25 =	vld [tilespmem:s6+$0x200];
	v29 =	vmul.f32 v35, v35  }
0x159: {  	v57 =	vsub.f32 v37, v15;
	v41 =	vld [tilespmem:s0+$0x0];
	v26 =	vadd.f32 v26, v34;
	v58 =	vmul.f32 v28, v28  }
0x15a: {  	v23 =	vld [tilespmem:s6+$0x280];
	v32 =	vadd.f32 v59, v62;
	v40 =	vadd.f32 v27, v29  }
0x15b: {  	v35 =	vld [tilespmem:s6+$0x100];
	v61 =	vsub.f32 v31, v16;
	v24 =	vadd.f32 v58, v24  }
0x15c: {  	v42 =	vmul.f32 v57, v57;
	v28 =	vld [tilespmem:s6+$0x4080];
	v27 =	vsub.f32 v56, v14;
	v60 =	vsub.f32 v30, v9  }
0x15d: {  	v29 =	vld [tilespmem:s6+$0x300];
	v31 =	vsub.f32 v25, v11;
	v63 =	vmul.f32 v61, v61;
	v24 =	vadd.f32 v24, v26  }
0x15e: {  	v30 =	vld [tilespmem:s6+$0x180];
	v37 =	vsub.f32 v41, v13;
	v26 =	vadd.f32 v39, v40  }
0x15f: {  	s16 =	simm.s32 $0x20;
	s9 =	simm.s32 $0x100;
	s13 =	simm.s32 $0x2;
	v34 =	vld [tilespmem:s6+$0x0];
	v25 =	vmul.f32 v60, v60;
	v36 =	vadd.f32 v63, v42;
	v24 =	vadd.f32 v38, v24  }
.LBB2_21:
0x160: {  	s0 =	sand.u32 $0x7, s13  }
0x161: {  	s2 =	sand.u32 $0x70, s16;
	s17 =	sand.u32 $0x3C00, s9;
	v23 =	vsub.f32 v23, v10;
	v28 =	vsub.f32 v28, v12;
	s18 =	smov.u32 s16  }
0x162: {  	s14 =	sadd.s32 $0x10, s16;
	v29 =	vsub.f32 v29, v8;
	s0 =	sshll.u32 s0, $0x4;
	v35 =	vsub.f32 v35, v6;
	v37 =	vmul.f32 v37, v37;
	v38 =	vld [tilespmem:s6+$0x4180];
	s6 =	sor.u32 s2, s17  }
0x163: {  	p1 =	sne.s32 s16, $0x7F0;
	v30 =	vsub.f32 v30, v4;
	s0 =	sadd.s32 s0, s9;
	v39 =	vld [tilespmem:s6+$0x4380];
	v23 =	vmul.f32 v23, v23;
	v33 =	vsub.f32 v33, v7  }
0x164: {  	v31 =	vmul.f32 v31, v31;
	v36 =	vadd.f32 v32, v36;
	s0 =	sor.u32 $0x380, s0;
	v40 =	vld [tilespmem:s6+$0x4300];
	v34 =	vsub.f32 v34, v3  }
0x165: {  	v22 =	vadd.f32 v22, v21;
	v30 =	vmul.f32 v30, v30;
	v35 =	vmul.f32 v35, v35;
	v32 =	vld [tilespmem:s6+$0x4200]  }
0x166: {  	v27 =	vmul.f32 v27, v27;
	v33 =	vmul.f32 v33, v33;
	v21 =	vadd.f32 v23, v31;
	v41 =	vld [tilespmem:s6+$0x4100]  }
0x167: {  	v29 =	vmul.f32 v29, v29;
	v26 =	vadd.f32 v22, v26;
	v42 =	vadd.f32 v30, v35;
	v23 =	vld [tilespmem:s6+$0x280]  }
0x168: {  	v34 =	vmul.f32 v34, v34;
	v35 =	vsub.f32 v38, v5;
	v31 =	vld [tilespmem:s6+$0x4280];
	v30 =	vsub.f32 v39, v18  }
0x169: {  	v22 =	vadd.f32 v37, v29;
	v24 =	vadd.f32 v24, v26;
	v26 =	vadd.s32 s1, v1;
	s1 =	smov.u32 s15;
	s15 =	smov.u32 s18;
	v38 =	vld [tilespmem:s6+$0x80]  }
0x16a: {  	v25 =	vadd.f32 v25, v34;
	v37 =	vld [tilespmem:s6+$0x200];
	v29 =	vsub.f32 v32, v15;
	v32 =	vmul.f32 v28, v28  }
0x16b: {  	vm0 =	vlt.f32 v24, v20;
	v34 =	vsub.f32 v40, v17;
	v35 =	vmul.f32 v35, v35;
	v39 =	vld [tilespmem:s0+$0x0]  }
0x16c: {  	v20 =	vmin.f32 v24, v20;
	v28 =	vld [tilespmem:s6+$0x4080];
	v40 =	vmul.f32 v29, v29;
	v32 =	vadd.f32 v32, v33  }
0x16d: {  	v19 =	vsel vm0, v26, v19;
	v24 =	vmul.f32 v30, v30;
	v33 =	vadd.f32 v35, v27;
	v29 =	vld [tilespmem:s6+$0x300]  }
.Ltmp13:
0x16e: {  	v26 =	vsub.f32 v31, v16;
	v38 =	vsub.f32 v38, v9;
	v30 =	vld [tilespmem:s6+$0x180];
	(pc) =	sbr.rel @p1 .LBB2_21-.Ltmp13, $4  }
0x16f: {  	v27 =	vsub.f32 v41, v14;
	v41 =	vmul.f32 v34, v34;
	v43 =	vadd.f32 v33, v32;
	v35 =	vld [tilespmem:s6+$0x100]  }
0x170: {  	v31 =	vsub.f32 v37, v11;
	v44 =	vmul.f32 v26, v26;
	v26 =	vadd.f32 v42, v25;
	v33 =	vld [tilespmem:s6+$0x4000]  }
0x171: {  	v32 =	vadd.f32 v24, v41;
	v24 =	vadd.f32 v36, v43;
	v34 =	vld [tilespmem:s6+$0x0]  }
0x172: {  	s13 =	sadd.s32 $0x1, s13;
	s16 =	smov.u32 s14;
	s9 =	sadd.s32 $0x80, s9;
	v25 =	vmul.f32 v38, v38;
	v37 =	vsub.f32 v39, v13;
	v36 =	vadd.f32 v44, v40  }
0x173: {  	v9 =	vld [tilespmem:s6+$0x4180];
	v10 =	vsub.f32 v23, v10;
	v11 =	vsub.f32 v28, v12  }
0x174: {  	v8 =	vsub.f32 v29, v8;
	v4 =	vsub.f32 v30, v4  }
0x175: {  	v13 =	vmul.f32 v31, v31;
	v55 =	vadd.f32 v22, v21;
	v15 =	vmul.f32 v27, v27  }
0x176: {  	v6 =	vsub.f32 v35, v6;
	v54 =	vmul.f32 v37, v37;
	v10 =	vmul.f32 v10, v10  }
0x177: {  	v7 =	vsub.f32 v33, v7;
	v4 =	vmul.f32 v4, v4;
	v11 =	vmul.f32 v11, v11  }
0x178: {  	v8 =	vmul.f32 v8, v8;
	v3 =	vsub.f32 v34, v3;
	v5 =	vsub.f32 v9, v5  }
0x179: {  	v6 =	vmul.f32 v6, v6;
	v7 =	vmul.f32 v7, v7;
	v10 =	vadd.f32 v10, v13  }
0x17a: {  	v57 =	vadd.f32 v54, v8;
	v3 =	vmul.f32 v3, v3;
	v5 =	vmul.f32 v5, v5  }
0x17b: {  	v4 =	vadd.f32 v4, v6;
	v56 =	vadd.f32 v11, v7  }
0x17c: {  	v3 =	vadd.f32 v25, v3;
	v5 =	vadd.f32 v5, v15  }
0x17d: {  	v14 =	vadd.f32 v32, v36;
	v59 =	vadd.f32 v57, v10  }
0x17e: {  	v3 =	vadd.f32 v4, v3;
	v5 =	vadd.f32 v5, v56  }
0x17f: {  	v58 =	vadd.f32 v55, v26  }
0x180: {  	v3 =	vadd.f32 v59, v3;
	v5 =	vadd.f32 v14, v5  }
0x181: {  	v60 =	vadd.f32 v24, v58  }
0x182: {  	v61 =	vadd.s32 s1, v1;
	v3 =	vadd.f32 v5, v3  }
0x183: {  	v63 =	vadd.s32 s15, v1;
	vm0 =	vlt.f32 v60, v20;
	v62 =	vmin.f32 v60, v20  }
0x184: {  	v4 =	vsel vm0, v61, v19;
	vm15 =	vlt.f32 v3, v62;
	v3 =	vmin.f32 v3, v62  }
0x185: {  	v4 =	vsel vm15, v63, v4;
	[tilespmem:$0x10080] =	vst v3  }
0x186: {  	s0 =	rddreg [dreg:$0x6];
	s21 =	simm.s32 $0x10080;
	s2 =	simm.s32 $0x3;
	[tilespmem:$0x10100] =	vst v4  }
0x187: {  	[hbm4b:s0+s4] =	stream.linear.scatter [tilespmem:s21], [sflag:$0x3], $0x80, $0x38;
	[tilespmem:$0x10180] =	vst v63  }
0x188: {  	_ =	swait.ge [sflag:s2], $0x80  }
0x189: {  	[sflag:s2] =	ssyncset.done $0x0  }
0x18a: {  	s29 =	simm.s32 $0x10100;
	s22 =	rddreg [dreg:$0x7];
	[sflag:s2] =	ssyncadd.s32 $0xFFFFFF80  }
0x18b: {  	[hbm4b:s22+s4] =	stream.linear.scatter [tilespmem:s29], [sflag:$0x3], $0x80, $0x38;
	[tilespmem:$0x10180] =	vst v63  }
0x18c: {  	_ =	swait.ge [sflag:s2], $0x80  }
0x18d: {  	s31 =	sadd.s32 $0x1, s31;
	s30 =	rddreg [dreg:$0xa]  }
0x18e: {  	p1 =	sne.s32 s31, s30  }
.Ltmp14:
0x18f: {  	_ = 	snop;
	(pc) =	sbr.rel @p1 .LBB2_1-.Ltmp14, $3  }
0x190: {  	_ =	sdelay $0x1  }
0x191: {  	[sflag:s2] =	ssyncset.done $0x0  }
0x192: {  	[sflag:s2] =	ssyncadd.s32 $0xFFFFFF80  }
0x193: {  	_ =	sfence.sel $0x180000  }
0x194: {  	[bflag:$0x0] =	sbarrier.arrive $0xFFFF  }
0x195: {  	_ =	strace $0x90000047  }
0x196: {  	s0 =	stileid.u32;
	[bflag:$0x2] =	sbarrier.arrive $0xFFFF  }
0x197: {  	p0 =	sne.s32 s0, $0x0;
	s0 =	rddreg [dreg:$0x3]  }
0x198: {  	s0 =	sadd.s32 @!p0 $0x100000, s0  }
0x199: {  	[sflag:s0] =	ssyncadd.tile.s32 @!p0 $0x1;
	_ =	shalt  }
.Lfunc_end2:
_tile_overlayer_lowered:
.L_overlay_start_2:
0x19a: {  	(tag) =	ssettag $0x2  }
0x19b: {  	s0 =	rddreg [dreg:$0x0];
	s2 =	stileid.u32  }
0x19c: {  	s1 =	rddreg [dreg:$0x1];
	p0 =	sne.s32 s2, $0x0  }
0x19d: {  	s3 =	rddreg [dreg:$0x2];
	[bflag:$0x3] =	sbarrier.arrive $0xFFFF;
	s2 =	simm.s32 @!p0 $0x1C03  }
0x19e: {  	[timem:s3], [sflag:s2] =	dma.local @!p0 [hbm:s0], s1  }
0x19f: {  	s0 =	simm.s32 @!p0 $0x3  }
0x1a0: {  	_ =	swait.ge @!p0 [sflag:s0], s1  }
0x1a1: {  	s1 =	ssub.s32 @!p0 $0x0, s1;
	[sflag:s0] =	ssyncset.done @!p0 $0x0  }
0x1a2: {  	[sflag:s0] =	ssyncadd.s32 @!p0 s1  }
0x1a3: {  	[bflag:$0x3] =	sbarrier.arrive $0xFFFF  }
0x1a4: {  	_ =	shalt  }

</sc_bundles>
